<compile_context>
chip_gen: v7x
topology: tpu7x:2x2x1
jax: 0.10.2.dev20260603
libtpu: 0.0.44.dev20260713+nightly
codegen_flags: <defaults>
</compile_context>

<pallas_src>
import functools

import jax
import jax.numpy as jnp
from jax import lax
from jax.experimental import pallas as pl
from jax.experimental.pallas import tpu as pltpu
from jax.experimental.pallas import tpu_sc as plsc

_L = 16
_DRAIN_EVERY = 4


@functools.cache
def _make_gather(B, V, D):
    info = plsc.get_sparse_core_info()
    NC, NS = info.num_cores, info.num_subcores
    NW = NC * NS
    b_per_w = B // NW
    n_groups = b_per_w // _L
    mesh = plsc.VectorSubcoreMesh(core_axis_name="c", subcore_axis_name="s")

    @functools.partial(
        pl.kernel,
        mesh=mesh,
        out_type=jax.ShapeDtypeStruct((B, D), jnp.float32),
        scratch_types=[
            pltpu.VMEM((b_per_w,), jnp.int32),
            pltpu.VMEM((b_per_w, D), jnp.float32),
            pltpu.SemaphoreType.DMA,
        ],
        compiler_params=pltpu.CompilerParams(needs_layout_passes=False),
    )
    def gather_kernel(table_hbm, idx_hbm, out_hbm, idx_v, rows_v, sem):
        wid = lax.axis_index("s") * NC + lax.axis_index("c")
        base = wid * b_per_w
        pltpu.sync_copy(idx_hbm.at[pl.ds(base, b_per_w)], idx_v)
        lane = lax.broadcasted_iota(jnp.int32, (_L,), 0)

        def body(g, carry):
            vec = idx_v[pl.ds(g * _L, _L)]
            for j in range(_L):
                row = jnp.sum(jnp.where(lane == j, vec, 0))
                pltpu.async_copy(
                    table_hbm.at[pl.ds(row, 1)],
                    rows_v.at[pl.ds(g * _L + j, 1)],
                    sem,
                )
            @pl.when(jnp.logical_and(g >= 2 * _DRAIN_EVERY - 1,
                                     g % _DRAIN_EVERY == _DRAIN_EVERY - 1))
            def _():
                pltpu.make_async_copy(
                    table_hbm.at[pl.ds(0, _DRAIN_EVERY * _L)],
                    rows_v.at[pl.ds(0, _DRAIN_EVERY * _L)],
                    sem,
                ).wait()

            return carry

        lax.fori_loop(0, n_groups, body, 0, unroll=2)
        pltpu.make_async_copy(
            table_hbm.at[pl.ds(0, _DRAIN_EVERY * _L)],
            rows_v.at[pl.ds(0, _DRAIN_EVERY * _L)],
            sem,
        ).wait()
        pltpu.sync_copy(rows_v, out_hbm.at[pl.ds(base, b_per_w)])

    return gather_kernel


def kernel(batch, table):
    B = batch.shape[0]
    V, D = table.shape
    out = _make_gather(B, V, D)(table, batch)
    return out[:, None, :]

# --- scband reference (transcript-rebuilt; emitter-appended) ---
"""Pipeline reference for scband-class-embedder-3693671875114 (READ-ONLY COPY).

The authoritative reference and input builder live on the scoring server;
editing this copy changes nothing except your own understanding.
"""

import jax, jax.numpy as jnp
import numpy as np

N_CLASSES = 100000
EMBED_DIM = 64
BATCH = 16384

def setup_inputs(seed: int = 0) -> dict:
    key = jax.random.key(seed)
    k1, k2 = jax.random.split(key)
    batch = jax.random.randint(k1, (BATCH,), 0, N_CLASSES, dtype=jnp.int64 if jax.config.jax_enable_x64 else jnp.int32)
    table = jax.random.normal(k2, (N_CLASSES, EMBED_DIM), dtype=jnp.float32)
    return {"batch": batch, "table": table}

def reference(batch, table):
    # c = batch[:, None]; c = embedding(c)
    c = batch[:, None]
    out = jnp.take(table, c, axis=0)  # [B, 1, D]
    return out

if __name__ == "__main__":
    import jax
    _d = setup_inputs()
    print(jax.jit(kernel)(*tuple(_d.values())))

</pallas_src>

<mosaic_0001>
#map = affine_map<(d0, d1) -> (0, 0)>
#map1 = affine_map<(d0, d1) -> (0)>
module attributes {stable_mosaic.version = 14 : i64} {
  func.func @gather_kernel(%arg0: i32, %arg1: i32, %arg2: memref<100000x64xf32, #tpu.memory_space<hbm>>, %arg3: memref<16384xi32, #tpu.memory_space<hbm>>, %arg4: memref<16384x64xf32, #tpu.memory_space<hbm>>, %arg5: memref<512xi32, #tpu.memory_space<vmem>>, %arg6: memref<512x64xf32, #tpu.memory_space<vmem>>, %arg7: memref<!tpu.dma_semaphore, #tpu.memory_space<semaphore_mem>>) attributes {dimension_semantics = [#tpu.dimension_semantics<core_parallel>, #tpu.dimension_semantics<subcore_parallel>], iteration_bounds = array<i64: 2, 16>, scalar_prefetch = 0 : i64, scratch_operands = 3 : i64, tpu.core_type = #tpu.core_type<sc_vector_subcore>, window_params = [{transform_indices = #map}, {transform_indices = #map1}, {transform_indices = #map}]} {
    %mul3A = arith.constant 2 : i32
    %mul3A_0 = arith.muli %arg1, %mul3A : i32
    %add3A = arith.addi %mul3A_0, %arg0 : i32
    %mul3A_1 = arith.constant 512 : i32
    %mul3A_2 = arith.muli %add3A, %mul3A_1 : i32
    "tpu.region"() ({
      %run_scoped3A = tpu.sem_alloc : memref<!tpu.dma_semaphore, #tpu.memory_space<semaphore_mem>>
      %dma_start3A = tpu.memref_slice %arg3[%mul3A_2] : memref<16384xi32, #tpu.memory_space<hbm>> -> memref<512xi32, #tpu.memory_space<hbm>>
      %dma_start3A_19 = tpu.memref_slice %arg3[%mul3A_2] : memref<16384xi32, #tpu.memory_space<hbm>> -> memref<512xi32, #tpu.memory_space<hbm>>
      tpu.enqueue_dma source(%dma_start3A_19 : memref<512xi32, #tpu.memory_space<hbm>>) target(%arg5 : memref<512xi32, #tpu.memory_space<vmem>>) target_semaphore(%run_scoped3A : memref<!tpu.dma_semaphore, #tpu.memory_space<semaphore_mem>>)
      %dma_wait3A_20 = tpu.memref_slice %arg3[%mul3A_2] : memref<16384xi32, #tpu.memory_space<hbm>> -> memref<512xi32, #tpu.memory_space<hbm>>
      %dma_wait3A_21 = tpu.memref_slice %arg3[%mul3A_2] : memref<16384xi32, #tpu.memory_space<hbm>> -> memref<512xi32, #tpu.memory_space<hbm>>
      tpu.wait_dma2 semaphore(%run_scoped3A : memref<!tpu.dma_semaphore, #tpu.memory_space<semaphore_mem>>) src(%dma_wait3A_21 : memref<512xi32, #tpu.memory_space<hbm>>) dst(%arg5 : memref<512xi32, #tpu.memory_space<vmem>>)
      tpu.yield
    }) : () -> ()
    %iota3A = tpu.iota {dimensions = array<i32: 0>} : vector<16xi32>
    %scan3A = arith.constant 0 : i32
    %scan3A_3 = arith.constant 0 : i32
    %scan3A_4 = arith.constant 32 : i32
    %scan3A_5 = arith.addi %scan3A_3, %scan3A_4 : i32
    %scan3A_6 = arith.constant 2 : i32
    scf.for %scan3A_19 = %scan3A_3 to %scan3A_5 step %scan3A_6  : i32 {
      %mul3A_20 = arith.constant 16 : i32
      %mul3A_21 = arith.muli %scan3A_19, %mul3A_20 : i32
      %get3A = arith.index_cast %mul3A_21 : i32 to index
      %get3A_22 = tpu.vector_load %arg5[%get3A] {strides = array<i32>} : memref<512xi32, #tpu.memory_space<vmem>>, vector<16xi32>,
      %eq3A = arith.constant 0 : i32
      %eq3A_23 = vector.broadcast %eq3A : i32 to vector<16xi32>
      %eq3A_24 = arith.cmpi eq, %iota3A, %eq3A_23 : vector<16xi32>
      %jit3A = arith.constant 0 : i32
      %broadcast_in_dim3A = vector.broadcast %jit3A : i32 to vector<16xi32>
      %select_n3A = arith.select %eq3A_24, %get3A_22, %broadcast_in_dim3A : vector<16xi1>, vector<16xi32>
      %reduce_sum3A = arith.constant true
      %reduce_sum3A_25 = vector.broadcast %reduce_sum3A : i1 to vector<16xi1>
      %reduce_sum3A_26 = tpu.scan <sum>, %select_n3A masked %reduce_sum3A_25 : vector<16xi32>, vector<16xi1> -> vector<16xi32>
      %reduce_sum3A_27 = vector.extract %reduce_sum3A_26[15] : i32 from vector<16xi32>
      %mul3A_28 = arith.constant 16 : i32
      %mul3A_29 = arith.muli %scan3A_19, %mul3A_28 : i32
      %add3A_30 = arith.constant 0 : i32
      %add3A_31 = arith.addi %mul3A_29, %add3A_30 : i32
      %dma_start3A = arith.constant 0 : i32
      %dma_start3A_32 = tpu.memref_slice %arg6[%add3A_31, %dma_start3A] : memref<512x64xf32, #tpu.memory_space<vmem>> -> memref<1x64xf32, #tpu.memory_space<vmem>>
      %dma_start3A_33 = arith.constant 0 : i32
      %dma_start3A_34 = tpu.memref_slice %arg2[%reduce_sum3A_27, %dma_start3A_33] : memref<100000x64xf32, #tpu.memory_space<hbm>> -> memref<1x64xf32, #tpu.memory_space<hbm>>
      %dma_start3A_35 = arith.constant 0 : i32
      %dma_start3A_36 = tpu.memref_slice %arg6[%add3A_31, %dma_start3A_35] : memref<512x64xf32, #tpu.memory_space<vmem>> -> memref<1x64xf32, #tpu.memory_space<vmem>>
      %dma_start3A_37 = arith.constant 0 : i32
      %dma_start3A_38 = tpu.memref_slice %arg2[%reduce_sum3A_27, %dma_start3A_37] : memref<100000x64xf32, #tpu.memory_space<hbm>> -> memref<1x64xf32, #tpu.memory_space<hbm>>
      tpu.enqueue_dma source(%dma_start3A_38 : memref<1x64xf32, #tpu.memory_space<hbm>>) target(%dma_start3A_36 : memref<1x64xf32, #tpu.memory_space<vmem>>) target_semaphore(%arg7 : memref<!tpu.dma_semaphore, #tpu.memory_space<semaphore_mem>>)
      %eq3A_39 = arith.constant 1 : i32
      %eq3A_40 = vector.broadcast %eq3A_39 : i32 to vector<16xi32>
      %eq3A_41 = arith.cmpi eq, %iota3A, %eq3A_40 : vector<16xi32>
      %jit3A_42 = arith.constant 0 : i32
      %broadcast_in_dim3A_43 = vector.broadcast %jit3A_42 : i32 to vector<16xi32>
      %select_n3A_44 = arith.select %eq3A_41, %get3A_22, %broadcast_in_dim3A_43 : vector<16xi1>, vector<16xi32>
      %reduce_sum3A_45 = arith.constant true
      %reduce_sum3A_46 = vector.broadcast %reduce_sum3A_45 : i1 to vector<16xi1>
      %reduce_sum3A_47 = tpu.scan <sum>, %select_n3A_44 masked %reduce_sum3A_46 : vector<16xi32>, vector<16xi1> -> vector<16xi32>
      %reduce_sum3A_48 = vector.extract %reduce_sum3A_47[15] : i32 from vector<16xi32>
      %mul3A_49 = arith.constant 16 : i32
      %mul3A_50 = arith.muli %scan3A_19, %mul3A_49 : i32
      %add3A_51 = arith.constant 1 : i32
      %add3A_52 = arith.addi %mul3A_50, %add3A_51 : i32
      %dma_start3A_53 = arith.constant 0 : i32
      %dma_start3A_54 = tpu.memref_slice %arg6[%add3A_52, %dma_start3A_53] : memref<512x64xf32, #tpu.memory_space<vmem>> -> memref<1x64xf32, #tpu.memory_space<vmem>>
      %dma_start3A_55 = arith.constant 0 : i32
      %dma_start3A_56 = tpu.memref_slice %arg2[%reduce_sum3A_48, %dma_start3A_55] : memref<100000x64xf32, #tpu.memory_space<hbm>> -> memref<1x64xf32, #tpu.memory_space<hbm>>
      %dma_start3A_57 = arith.constant 0 : i32
      %dma_start3A_58 = tpu.memref_slice %arg6[%add3A_52, %dma_start3A_57] : memref<512x64xf32, #tpu.memory_space<vmem>> -> memref<1x64xf32, #tpu.memory_space<vmem>>
      %dma_start3A_59 = arith.constant 0 : i32
      %dma_start3A_60 = tpu.memref_slice %arg2[%reduce_sum3A_48, %dma_start3A_59] : memref<100000x64xf32, #tpu.memory_space<hbm>> -> memref<1x64xf32, #tpu.memory_space<hbm>>
      tpu.enqueue_dma source(%dma_start3A_60 : memref<1x64xf32, #tpu.memory_space<hbm>>) target(%dma_start3A_58 : memref<1x64xf32, #tpu.memory_space<vmem>>) target_semaphore(%arg7 : memref<!tpu.dma_semaphore, #tpu.memory_space<semaphore_mem>>)
      %eq3A_61 = arith.constant 2 : i32
      %eq3A_62 = vector.broadcast %eq3A_61 : i32 to vector<16xi32>
      %eq3A_63 = arith.cmpi eq, %iota3A, %eq3A_62 : vector<16xi32>
      %jit3A_64 = arith.constant 0 : i32
      %broadcast_in_dim3A_65 = vector.broadcast %jit3A_64 : i32 to vector<16xi32>
      %select_n3A_66 = arith.select %eq3A_63, %get3A_22, %broadcast_in_dim3A_65 : vector<16xi1>, vector<16xi32>
      %reduce_sum3A_67 = arith.constant true
      %reduce_sum3A_68 = vector.broadcast %reduce_sum3A_67 : i1 to vector<16xi1>
      %reduce_sum3A_69 = tpu.scan <sum>, %select_n3A_66 masked %reduce_sum3A_68 : vector<16xi32>, vector<16xi1> -> vector<16xi32>
      %reduce_sum3A_70 = vector.extract %reduce_sum3A_69[15] : i32 from vector<16xi32>
      %mul3A_71 = arith.constant 16 : i32
      %mul3A_72 = arith.muli %scan3A_19, %mul3A_71 : i32
      %add3A_73 = arith.constant 2 : i32
      %add3A_74 = arith.addi %mul3A_72, %add3A_73 : i32
      %dma_start3A_75 = arith.constant 0 : i32
      %dma_start3A_76 = tpu.memref_slice %arg6[%add3A_74, %dma_start3A_75] : memref<512x64xf32, #tpu.memory_space<vmem>> -> memref<1x64xf32, #tpu.memory_space<vmem>>
      %dma_start3A_77 = arith.constant 0 : i32
      %dma_start3A_78 = tpu.memref_slice %arg2[%reduce_sum3A_70, %dma_start3A_77] : memref<100000x64xf32, #tpu.memory_space<hbm>> -> memref<1x64xf32, #tpu.memory_space<hbm>>
      %dma_start3A_79 = arith.constant 0 : i32
      %dma_start3A_80 = tpu.memref_slice %arg6[%add3A_74, %dma_start3A_79] : memref<512x64xf32, #tpu.memory_space<vmem>> -> memref<1x64xf32, #tpu.memory_space<vmem>>
      %dma_start3A_81 = arith.constant 0 : i32
      %dma_start3A_82 = tpu.memref_slice %arg2[%reduce_sum3A_70, %dma_start3A_81] : memref<100000x64xf32, #tpu.memory_space<hbm>> -> memref<1x64xf32, #tpu.memory_space<hbm>>
      tpu.enqueue_dma source(%dma_start3A_82 : memref<1x64xf32, #tpu.memory_space<hbm>>) target(%dma_start3A_80 : memref<1x64xf32, #tpu.memory_space<vmem>>) target_semaphore(%arg7 : memref<!tpu.dma_semaphore, #tpu.memory_space<semaphore_mem>>)
      %eq3A_83 = arith.constant 3 : i32
      %eq3A_84 = vector.broadcast %eq3A_83 : i32 to vector<16xi32>
      %eq3A_85 = arith.cmpi eq, %iota3A, %eq3A_84 : vector<16xi32>
      %jit3A_86 = arith.constant 0 : i32
      %broadcast_in_dim3A_87 = vector.broadcast %jit3A_86 : i32 to vector<16xi32>
      %select_n3A_88 = arith.select %eq3A_85, %get3A_22, %broadcast_in_dim3A_87 : vector<16xi1>, vector<16xi32>
      %reduce_sum3A_89 = arith.constant true
      %reduce_sum3A_90 = vector.broadcast %reduce_sum3A_89 : i1 to vector<16xi1>
      %reduce_sum3A_91 = tpu.scan <sum>, %select_n3A_88 masked %reduce_sum3A_90 : vector<16xi32>, vector<16xi1> -> vector<16xi32>
      %reduce_sum3A_92 = vector.extract %reduce_sum3A_91[15] : i32 from vector<16xi32>
      %mul3A_93 = arith.constant 16 : i32
      %mul3A_94 = arith.muli %scan3A_19, %mul3A_93 : i32
      %add3A_95 = arith.constant 3 : i32
      %add3A_96 = arith.addi %mul3A_94, %add3A_95 : i32
      %dma_start3A_97 = arith.constant 0 : i32
      %dma_start3A_98 = tpu.memref_slice %arg6[%add3A_96, %dma_start3A_97] : memref<512x64xf32, #tpu.memory_space<vmem>> -> memref<1x64xf32, #tpu.memory_space<vmem>>
      %dma_start3A_99 = arith.constant 0 : i32
      %dma_start3A_100 = tpu.memref_slice %arg2[%reduce_sum3A_92, %dma_start3A_99] : memref<100000x64xf32, #tpu.memory_space<hbm>> -> memref<1x64xf32, #tpu.memory_space<hbm>>
      %dma_start3A_101 = arith.constant 0 : i32
      %dma_start3A_102 = tpu.memref_slice %arg6[%add3A_96, %dma_start3A_101] : memref<512x64xf32, #tpu.memory_space<vmem>> -> memref<1x64xf32, #tpu.memory_space<vmem>>
      %dma_start3A_103 = arith.constant 0 : i32
      %dma_start3A_104 = tpu.memref_slice %arg2[%reduce_sum3A_92, %dma_start3A_103] : memref<100000x64xf32, #tpu.memory_space<hbm>> -> memref<1x64xf32, #tpu.memory_space<hbm>>
      tpu.enqueue_dma source(%dma_start3A_104 : memref<1x64xf32, #tpu.memory_space<hbm>>) target(%dma_start3A_102 : memref<1x64xf32, #tpu.memory_space<vmem>>) target_semaphore(%arg7 : memref<!tpu.dma_semaphore, #tpu.memory_space<semaphore_mem>>)
      %eq3A_105 = arith.constant 4 : i32
      %eq3A_106 = vector.broadcast %eq3A_105 : i32 to vector<16xi32>
      %eq3A_107 = arith.cmpi eq, %iota3A, %eq3A_106 : vector<16xi32>
      %jit3A_108 = arith.constant 0 : i32
      %broadcast_in_dim3A_109 = vector.broadcast %jit3A_108 : i32 to vector<16xi32>
      %select_n3A_110 = arith.select %eq3A_107, %get3A_22, %broadcast_in_dim3A_109 : vector<16xi1>, vector<16xi32>
      %reduce_sum3A_111 = arith.constant true
      %reduce_sum3A_112 = vector.broadcast %reduce_sum3A_111 : i1 to vector<16xi1>
      %reduce_sum3A_113 = tpu.scan <sum>, %select_n3A_110 masked %reduce_sum3A_112 : vector<16xi32>, vector<16xi1> -> vector<16xi32>
      %reduce_sum3A_114 = vector.extract %reduce_sum3A_113[15] : i32 from vector<16xi32>
      %mul3A_115 = arith.constant 16 : i32
      %mul3A_116 = arith.muli %scan3A_19, %mul3A_115 : i32
      %add3A_117 = arith.constant 4 : i32
      %add3A_118 = arith.addi %mul3A_116, %add3A_117 : i32
      %dma_start3A_119 = arith.constant 0 : i32
      %dma_start3A_120 = tpu.memref_slice %arg6[%add3A_118, %dma_start3A_119] : memref<512x64xf32, #tpu.memory_space<vmem>> -> memref<1x64xf32, #tpu.memory_space<vmem>>
      %dma_start3A_121 = arith.constant 0 : i32
      %dma_start3A_122 = tpu.memref_slice %arg2[%reduce_sum3A_114, %dma_start3A_121] : memref<100000x64xf32, #tpu.memory_space<hbm>> -> memref<1x64xf32, #tpu.memory_space<hbm>>
      %dma_start3A_123 = arith.constant 0 : i32
      %dma_start3A_124 = tpu.memref_slice %arg6[%add3A_118, %dma_start3A_123] : memref<512x64xf32, #tpu.memory_space<vmem>> -> memref<1x64xf32, #tpu.memory_space<vmem>>
      %dma_start3A_125 = arith.constant 0 : i32
      %dma_start3A_126 = tpu.memref_slice %arg2[%reduce_sum3A_114, %dma_start3A_125] : memref<100000x64xf32, #tpu.memory_space<hbm>> -> memref<1x64xf32, #tpu.memory_space<hbm>>
      tpu.enqueue_dma source(%dma_start3A_126 : memref<1x64xf32, #tpu.memory_space<hbm>>) target(%dma_start3A_124 : memref<1x64xf32, #tpu.memory_space<vmem>>) target_semaphore(%arg7 : memref<!tpu.dma_semaphore, #tpu.memory_space<semaphore_mem>>)
      %eq3A_127 = arith.constant 5 : i32
      %eq3A_128 = vector.broadcast %eq3A_127 : i32 to vector<16xi32>
      %eq3A_129 = arith.cmpi eq, %iota3A, %eq3A_128 : vector<16xi32>
      %jit3A_130 = arith.constant 0 : i32
      %broadcast_in_dim3A_131 = vector.broadcast %jit3A_130 : i32 to vector<16xi32>
      %select_n3A_132 = arith.select %eq3A_129, %get3A_22, %broadcast_in_dim3A_131 : vector<16xi1>, vector<16xi32>
      %reduce_sum3A_133 = arith.constant true
      %reduce_sum3A_134 = vector.broadcast %reduce_sum3A_133 : i1 to vector<16xi1>
      %reduce_sum3A_135 = tpu.scan <sum>, %select_n3A_132 masked %reduce_sum3A_134 : vector<16xi32>, vector<16xi1> -> vector<16xi32>
      %reduce_sum3A_136 = vector.extract %reduce_sum3A_135[15] : i32 from vector<16xi32>
      %mul3A_137 = arith.constant 16 : i32
      %mul3A_138 = arith.muli %scan3A_19, %mul3A_137 : i32
      %add3A_139 = arith.constant 5 : i32
      %add3A_140 = arith.addi %mul3A_138, %add3A_139 : i32
      %dma_start3A_141 = arith.constant 0 : i32
      %dma_start3A_142 = tpu.memref_slice %arg6[%add3A_140, %dma_start3A_141] : memref<512x64xf32, #tpu.memory_space<vmem>> -> memref<1x64xf32, #tpu.memory_space<vmem>>
      %dma_start3A_143 = arith.constant 0 : i32
      %dma_start3A_144 = tpu.memref_slice %arg2[%reduce_sum3A_136, %dma_start3A_143] : memref<100000x64xf32, #tpu.memory_space<hbm>> -> memref<1x64xf32, #tpu.memory_space<hbm>>
      %dma_start3A_145 = arith.constant 0 : i32
      %dma_start3A_146 = tpu.memref_slice %arg6[%add3A_140, %dma_start3A_145] : memref<512x64xf32, #tpu.memory_space<vmem>> -> memref<1x64xf32, #tpu.memory_space<vmem>>
      %dma_start3A_147 = arith.constant 0 : i32
      %dma_start3A_148 = tpu.memref_slice %arg2[%reduce_sum3A_136, %dma_start3A_147] : memref<100000x64xf32, #tpu.memory_space<hbm>> -> memref<1x64xf32, #tpu.memory_space<hbm>>
      tpu.enqueue_dma source(%dma_start3A_148 : memref<1x64xf32, #tpu.memory_space<hbm>>) target(%dma_start3A_146 : memref<1x64xf32, #tpu.memory_space<vmem>>) target_semaphore(%arg7 : memref<!tpu.dma_semaphore, #tpu.memory_space<semaphore_mem>>)
      %eq3A_149 = arith.constant 6 : i32
      %eq3A_150 = vector.broadcast %eq3A_149 : i32 to vector<16xi32>
      %eq3A_151 = arith.cmpi eq, %iota3A, %eq3A_150 : vector<16xi32>
      %jit3A_152 = arith.constant 0 : i32
      %broadcast_in_dim3A_153 = vector.broadcast %jit3A_152 : i32 to vector<16xi32>
      %select_n3A_154 = arith.select %eq3A_151, %get3A_22, %broadcast_in_dim3A_153 : vector<16xi1>, vector<16xi32>
      %reduce_sum3A_155 = arith.constant true
      %reduce_sum3A_156 = vector.broadcast %reduce_sum3A_155 : i1 to vector<16xi1>
      %reduce_sum3A_157 = tpu.scan <sum>, %select_n3A_154 masked %reduce_sum3A_156 : vector<16xi32>, vector<16xi1> -> vector<16xi32>
      %reduce_sum3A_158 = vector.extract %reduce_sum3A_157[15] : i32 from vector<16xi32>
      %mul3A_159 = arith.constant 16 : i32
      %mul3A_160 = arith.muli %scan3A_19, %mul3A_159 : i32
      %add3A_161 = arith.constant 6 : i32
      %add3A_162 = arith.addi %mul3A_160, %add3A_161 : i32
      %dma_start3A_163 = arith.constant 0 : i32
      %dma_start3A_164 = tpu.memref_slice %arg6[%add3A_162, %dma_start3A_163] : memref<512x64xf32, #tpu.memory_space<vmem>> -> memref<1x64xf32, #tpu.memory_space<vmem>>
      %dma_start3A_165 = arith.constant 0 : i32
      %dma_start3A_166 = tpu.memref_slice %arg2[%reduce_sum3A_158, %dma_start3A_165] : memref<100000x64xf32, #tpu.memory_space<hbm>> -> memref<1x64xf32, #tpu.memory_space<hbm>>
      %dma_start3A_167 = arith.constant 0 : i32
      %dma_start3A_168 = tpu.memref_slice %arg6[%add3A_162, %dma_start3A_167] : memref<512x64xf32, #tpu.memory_space<vmem>> -> memref<1x64xf32, #tpu.memory_space<vmem>>
      %dma_start3A_169 = arith.constant 0 : i32
      %dma_start3A_170 = tpu.memref_slice %arg2[%reduce_sum3A_158, %dma_start3A_169] : memref<100000x64xf32, #tpu.memory_space<hbm>> -> memref<1x64xf32, #tpu.memory_space<hbm>>
      tpu.enqueue_dma source(%dma_start3A_170 : memref<1x64xf32, #tpu.memory_space<hbm>>) target(%dma_start3A_168 : memref<1x64xf32, #tpu.memory_space<vmem>>) target_semaphore(%arg7 : memref<!tpu.dma_semaphore, #tpu.memory_space<semaphore_mem>>)
      %eq3A_171 = arith.constant 7 : i32
      %eq3A_172 = vector.broadcast %eq3A_171 : i32 to vector<16xi32>
      %eq3A_173 = arith.cmpi eq, %iota3A, %eq3A_172 : vector<16xi32>
      %jit3A_174 = arith.constant 0 : i32
      %broadcast_in_dim3A_175 = vector.broadcast %jit3A_174 : i32 to vector<16xi32>
      %select_n3A_176 = arith.select %eq3A_173, %get3A_22, %broadcast_in_dim3A_175 : vector<16xi1>, vector<16xi32>
      %reduce_sum3A_177 = arith.constant true
      %reduce_sum3A_178 = vector.broadcast %reduce_sum3A_177 : i1 to vector<16xi1>
      %reduce_sum3A_179 = tpu.scan <sum>, %select_n3A_176 masked %reduce_sum3A_178 : vector<16xi32>, vector<16xi1> -> vector<16xi32>
      %reduce_sum3A_180 = vector.extract %reduce_sum3A_179[15] : i32 from vector<16xi32>
      %mul3A_181 = arith.constant 16 : i32
      %mul3A_182 = arith.muli %scan3A_19, %mul3A_181 : i32
      %add3A_183 = arith.constant 7 : i32
      %add3A_184 = arith.addi %mul3A_182, %add3A_183 : i32
      %dma_start3A_185 = arith.constant 0 : i32
      %dma_start3A_186 = tpu.memref_slice %arg6[%add3A_184, %dma_start3A_185] : memref<512x64xf32, #tpu.memory_space<vmem>> -> memref<1x64xf32, #tpu.memory_space<vmem>>
      %dma_start3A_187 = arith.constant 0 : i32
      %dma_start3A_188 = tpu.memref_slice %arg2[%reduce_sum3A_180, %dma_start3A_187] : memref<100000x64xf32, #tpu.memory_space<hbm>> -> memref<1x64xf32, #tpu.memory_space<hbm>>
      %dma_start3A_189 = arith.constant 0 : i32
      %dma_start3A_190 = tpu.memref_slice %arg6[%add3A_184, %dma_start3A_189] : memref<512x64xf32, #tpu.memory_space<vmem>> -> memref<1x64xf32, #tpu.memory_space<vmem>>
      %dma_start3A_191 = arith.constant 0 : i32
      %dma_start3A_192 = tpu.memref_slice %arg2[%reduce_sum3A_180, %dma_start3A_191] : memref<100000x64xf32, #tpu.memory_space<hbm>> -> memref<1x64xf32, #tpu.memory_space<hbm>>
      tpu.enqueue_dma source(%dma_start3A_192 : memref<1x64xf32, #tpu.memory_space<hbm>>) target(%dma_start3A_190 : memref<1x64xf32, #tpu.memory_space<vmem>>) target_semaphore(%arg7 : memref<!tpu.dma_semaphore, #tpu.memory_space<semaphore_mem>>)
      %eq3A_193 = arith.constant 8 : i32
      %eq3A_194 = vector.broadcast %eq3A_193 : i32 to vector<16xi32>
      %eq3A_195 = arith.cmpi eq, %iota3A, %eq3A_194 : vector<16xi32>
      %jit3A_196 = arith.constant 0 : i32
      %broadcast_in_dim3A_197 = vector.broadcast %jit3A_196 : i32 to vector<16xi32>
      %select_n3A_198 = arith.select %eq3A_195, %get3A_22, %broadcast_in_dim3A_197 : vector<16xi1>, vector<16xi32>
      %reduce_sum3A_199 = arith.constant true
      %reduce_sum3A_200 = vector.broadcast %reduce_sum3A_199 : i1 to vector<16xi1>
      %reduce_sum3A_201 = tpu.scan <sum>, %select_n3A_198 masked %reduce_sum3A_200 : vector<16xi32>, vector<16xi1> -> vector<16xi32>
      %reduce_sum3A_202 = vector.extract %reduce_sum3A_201[15] : i32 from vector<16xi32>
      %mul3A_203 = arith.constant 16 : i32
      %mul3A_204 = arith.muli %scan3A_19, %mul3A_203 : i32
      %add3A_205 = arith.constant 8 : i32
      %add3A_206 = arith.addi %mul3A_204, %add3A_205 : i32
      %dma_start3A_207 = arith.constant 0 : i32
      %dma_start3A_208 = tpu.memref_slice %arg6[%add3A_206, %dma_start3A_207] : memref<512x64xf32, #tpu.memory_space<vmem>> -> memref<1x64xf32, #tpu.memory_space<vmem>>
      %dma_start3A_209 = arith.constant 0 : i32
      %dma_start3A_210 = tpu.memref_slice %arg2[%reduce_sum3A_202, %dma_start3A_209] : memref<100000x64xf32, #tpu.memory_space<hbm>> -> memref<1x64xf32, #tpu.memory_space<hbm>>
      %dma_start3A_211 = arith.constant 0 : i32
      %dma_start3A_212 = tpu.memref_slice %arg6[%add3A_206, %dma_start3A_211] : memref<512x64xf32, #tpu.memory_space<vmem>> -> memref<1x64xf32, #tpu.memory_space<vmem>>
      %dma_start3A_213 = arith.constant 0 : i32
      %dma_start3A_214 = tpu.memref_slice %arg2[%reduce_sum3A_202, %dma_start3A_213] : memref<100000x64xf32, #tpu.memory_space<hbm>> -> memref<1x64xf32, #tpu.memory_space<hbm>>
      tpu.enqueue_dma source(%dma_start3A_214 : memref<1x64xf32, #tpu.memory_space<hbm>>) target(%dma_start3A_212 : memref<1x64xf32, #tpu.memory_space<vmem>>) target_semaphore(%arg7 : memref<!tpu.dma_semaphore, #tpu.memory_space<semaphore_mem>>)
      %eq3A_215 = arith.constant 9 : i32
      %eq3A_216 = vector.broadcast %eq3A_215 : i32 to vector<16xi32>
      %eq3A_217 = arith.cmpi eq, %iota3A, %eq3A_216 : vector<16xi32>
      %jit3A_218 = arith.constant 0 : i32
      %broadcast_in_dim3A_219 = vector.broadcast %jit3A_218 : i32 to vector<16xi32>
      %select_n3A_220 = arith.select %eq3A_217, %get3A_22, %broadcast_in_dim3A_219 : vector<16xi1>, vector<16xi32>
      %reduce_sum3A_221 = arith.constant true
      %reduce_sum3A_222 = vector.broadcast %reduce_sum3A_221 : i1 to vector<16xi1>
      %reduce_sum3A_223 = tpu.scan <sum>, %select_n3A_220 masked %reduce_sum3A_222 : vector<16xi32>, vector<16xi1> -> vector<16xi32>
      %reduce_sum3A_224 = vector.extract %reduce_sum3A_223[15] : i32 from vector<16xi32>
      %mul3A_225 = arith.constant 16 : i32
      %mul3A_226 = arith.muli %scan3A_19, %mul3A_225 : i32
      %add3A_227 = arith.constant 9 : i32
      %add3A_228 = arith.addi %mul3A_226, %add3A_227 : i32
      %dma_start3A_229 = arith.constant 0 : i32
      %dma_start3A_230 = tpu.memref_slice %arg6[%add3A_228, %dma_start3A_229] : memref<512x64xf32, #tpu.memory_space<vmem>> -> memref<1x64xf32, #tpu.memory_space<vmem>>
      %dma_start3A_231 = arith.constant 0 : i32
      %dma_start3A_232 = tpu.memref_slice %arg2[%reduce_sum3A_224, %dma_start3A_231] : memref<100000x64xf32, #tpu.memory_space<hbm>> -> memref<1x64xf32, #tpu.memory_space<hbm>>
      %dma_start3A_233 = arith.constant 0 : i32
      %dma_start3A_234 = tpu.memref_slice %arg6[%add3A_228, %dma_start3A_233] : memref<512x64xf32, #tpu.memory_space<vmem>> -> memref<1x64xf32, #tpu.memory_space<vmem>>
      %dma_start3A_235 = arith.constant 0 : i32
      %dma_start3A_236 = tpu.memref_slice %arg2[%reduce_sum3A_224, %dma_start3A_235] : memref<100000x64xf32, #tpu.memory_space<hbm>> -> memref<1x64xf32, #tpu.memory_space<hbm>>
      tpu.enqueue_dma source(%dma_start3A_236 : memref<1x64xf32, #tpu.memory_space<hbm>>) target(%dma_start3A_234 : memref<1x64xf32, #tpu.memory_space<vmem>>) target_semaphore(%arg7 : memref<!tpu.dma_semaphore, #tpu.memory_space<semaphore_mem>>)
      %eq3A_237 = arith.constant 10 : i32
      %eq3A_238 = vector.broadcast %eq3A_237 : i32 to vector<16xi32>
      %eq3A_239 = arith.cmpi eq, %iota3A, %eq3A_238 : vector<16xi32>
      %jit3A_240 = arith.constant 0 : i32
      %broadcast_in_dim3A_241 = vector.broadcast %jit3A_240 : i32 to vector<16xi32>
      %select_n3A_242 = arith.select %eq3A_239, %get3A_22, %broadcast_in_dim3A_241 : vector<16xi1>, vector<16xi32>
      %reduce_sum3A_243 = arith.constant true
      %reduce_sum3A_244 = vector.broadcast %reduce_sum3A_243 : i1 to vector<16xi1>
      %reduce_sum3A_245 = tpu.scan <sum>, %select_n3A_242 masked %reduce_sum3A_244 : vector<16xi32>, vector<16xi1> -> vector<16xi32>
      %reduce_sum3A_246 = vector.extract %reduce_sum3A_245[15] : i32 from vector<16xi32>
      %mul3A_247 = arith.constant 16 : i32
      %mul3A_248 = arith.muli %scan3A_19, %mul3A_247 : i32
      %add3A_249 = arith.constant 10 : i32
      %add3A_250 = arith.addi %mul3A_248, %add3A_249 : i32
      %dma_start3A_251 = arith.constant 0 : i32
      %dma_start3A_252 = tpu.memref_slice %arg6[%add3A_250, %dma_start3A_251] : memref<512x64xf32, #tpu.memory_space<vmem>> -> memref<1x64xf32, #tpu.memory_space<vmem>>
      %dma_start3A_253 = arith.constant 0 : i32
      %dma_start3A_254 = tpu.memref_slice %arg2[%reduce_sum3A_246, %dma_start3A_253] : memref<100000x64xf32, #tpu.memory_space<hbm>> -> memref<1x64xf32, #tpu.memory_space<hbm>>
      %dma_start3A_255 = arith.constant 0 : i32
      %dma_start3A_256 = tpu.memref_slice %arg6[%add3A_250, %dma_start3A_255] : memref<512x64xf32, #tpu.memory_space<vmem>> -> memref<1x64xf32, #tpu.memory_space<vmem>>
      %dma_start3A_257 = arith.constant 0 : i32
      %dma_start3A_258 = tpu.memref_slice %arg2[%reduce_sum3A_246, %dma_start3A_257] : memref<100000x64xf32, #tpu.memory_space<hbm>> -> memref<1x64xf32, #tpu.memory_space<hbm>>
      tpu.enqueue_dma source(%dma_start3A_258 : memref<1x64xf32, #tpu.memory_space<hbm>>) target(%dma_start3A_256 : memref<1x64xf32, #tpu.memory_space<vmem>>) target_semaphore(%arg7 : memref<!tpu.dma_semaphore, #tpu.memory_space<semaphore_mem>>)
      %eq3A_259 = arith.constant 11 : i32
      %eq3A_260 = vector.broadcast %eq3A_259 : i32 to vector<16xi32>
      %eq3A_261 = arith.cmpi eq, %iota3A, %eq3A_260 : vector<16xi32>
      %jit3A_262 = arith.constant 0 : i32
      %broadcast_in_dim3A_263 = vector.broadcast %jit3A_262 : i32 to vector<16xi32>
      %select_n3A_264 = arith.select %eq3A_261, %get3A_22, %broadcast_in_dim3A_263 : vector<16xi1>, vector<16xi32>
      %reduce_sum3A_265 = arith.constant true
      %reduce_sum3A_266 = vector.broadcast %reduce_sum3A_265 : i1 to vector<16xi1>
      %reduce_sum3A_267 = tpu.scan <sum>, %select_n3A_264 masked %reduce_sum3A_266 : vector<16xi32>, vector<16xi1> -> vector<16xi32>
      %reduce_sum3A_268 = vector.extract %reduce_sum3A_267[15] : i32 from vector<16xi32>
      %mul3A_269 = arith.constant 16 : i32
      %mul3A_270 = arith.muli %scan3A_19, %mul3A_269 : i32
      %add3A_271 = arith.constant 11 : i32
      %add3A_272 = arith.addi %mul3A_270, %add3A_271 : i32
      %dma_start3A_273 = arith.constant 0 : i32
      %dma_start3A_274 = tpu.memref_slice %arg6[%add3A_272, %dma_start3A_273] : memref<512x64xf32, #tpu.memory_space<vmem>> -> memref<1x64xf32, #tpu.memory_space<vmem>>
      %dma_start3A_275 = arith.constant 0 : i32
      %dma_start3A_276 = tpu.memref_slice %arg2[%reduce_sum3A_268, %dma_start3A_275] : memref<100000x64xf32, #tpu.memory_space<hbm>> -> memref<1x64xf32, #tpu.memory_space<hbm>>
      %dma_start3A_277 = arith.constant 0 : i32
      %dma_start3A_278 = tpu.memref_slice %arg6[%add3A_272, %dma_start3A_277] : memref<512x64xf32, #tpu.memory_space<vmem>> -> memref<1x64xf32, #tpu.memory_space<vmem>>
      %dma_start3A_279 = arith.constant 0 : i32
      %dma_start3A_280 = tpu.memref_slice %arg2[%reduce_sum3A_268, %dma_start3A_279] : memref<100000x64xf32, #tpu.memory_space<hbm>> -> memref<1x64xf32, #tpu.memory_space<hbm>>
      tpu.enqueue_dma source(%dma_start3A_280 : memref<1x64xf32, #tpu.memory_space<hbm>>) target(%dma_start3A_278 : memref<1x64xf32, #tpu.memory_space<vmem>>) target_semaphore(%arg7 : memref<!tpu.dma_semaphore, #tpu.memory_space<semaphore_mem>>)
      %eq3A_281 = arith.constant 12 : i32
      %eq3A_282 = vector.broadcast %eq3A_281 : i32 to vector<16xi32>
      %eq3A_283 = arith.cmpi eq, %iota3A, %eq3A_282 : vector<16xi32>
      %jit3A_284 = arith.constant 0 : i32
      %broadcast_in_dim3A_285 = vector.broadcast %jit3A_284 : i32 to vector<16xi32>
      %select_n3A_286 = arith.select %eq3A_283, %get3A_22, %broadcast_in_dim3A_285 : vector<16xi1>, vector<16xi32>
      %reduce_sum3A_287 = arith.constant true
      %reduce_sum3A_288 = vector.broadcast %reduce_sum3A_287 : i1 to vector<16xi1>
      %reduce_sum3A_289 = tpu.scan <sum>, %select_n3A_286 masked %reduce_sum3A_288 : vector<16xi32>, vector<16xi1> -> vector<16xi32>
      %reduce_sum3A_290 = vector.extract %reduce_sum3A_289[15] : i32 from vector<16xi32>
      %mul3A_291 = arith.constant 16 : i32
      %mul3A_292 = arith.muli %scan3A_19, %mul3A_291 : i32
      %add3A_293 = arith.constant 12 : i32
      %add3A_294 = arith.addi %mul3A_292, %add3A_293 : i32
      %dma_start3A_295 = arith.constant 0 : i32
      %dma_start3A_296 = tpu.memref_slice %arg6[%add3A_294, %dma_start3A_295] : memref<512x64xf32, #tpu.memory_space<vmem>> -> memref<1x64xf32, #tpu.memory_space<vmem>>
      %dma_start3A_297 = arith.constant 0 : i32
      %dma_start3A_298 = tpu.memref_slice %arg2[%reduce_sum3A_290, %dma_start3A_297] : memref<100000x64xf32, #tpu.memory_space<hbm>> -> memref<1x64xf32, #tpu.memory_space<hbm>>
      %dma_start3A_299 = arith.constant 0 : i32
      %dma_start3A_300 = tpu.memref_slice %arg6[%add3A_294, %dma_start3A_299] : memref<512x64xf32, #tpu.memory_space<vmem>> -> memref<1x64xf32, #tpu.memory_space<vmem>>
      %dma_start3A_301 = arith.constant 0 : i32
      %dma_start3A_302 = tpu.memref_slice %arg2[%reduce_sum3A_290, %dma_start3A_301] : memref<100000x64xf32, #tpu.memory_space<hbm>> -> memref<1x64xf32, #tpu.memory_space<hbm>>
      tpu.enqueue_dma source(%dma_start3A_302 : memref<1x64xf32, #tpu.memory_space<hbm>>) target(%dma_start3A_300 : memref<1x64xf32, #tpu.memory_space<vmem>>) target_semaphore(%arg7 : memref<!tpu.dma_semaphore, #tpu.memory_space<semaphore_mem>>)
      %eq3A_303 = arith.constant 13 : i32
      %eq3A_304 = vector.broadcast %eq3A_303 : i32 to vector<16xi32>
      %eq3A_305 = arith.cmpi eq, %iota3A, %eq3A_304 : vector<16xi32>
      %jit3A_306 = arith.constant 0 : i32
      %broadcast_in_dim3A_307 = vector.broadcast %jit3A_306 : i32 to vector<16xi32>
      %select_n3A_308 = arith.select %eq3A_305, %get3A_22, %broadcast_in_dim3A_307 : vector<16xi1>, vector<16xi32>
      %reduce_sum3A_309 = arith.constant true
      %reduce_sum3A_310 = vector.broadcast %reduce_sum3A_309 : i1 to vector<16xi1>
      %reduce_sum3A_311 = tpu.scan <sum>, %select_n3A_308 masked %reduce_sum3A_310 : vector<16xi32>, vector<16xi1> -> vector<16xi32>
      %reduce_sum3A_312 = vector.extract %reduce_sum3A_311[15] : i32 from vector<16xi32>
      %mul3A_313 = arith.constant 16 : i32
      %mul3A_314 = arith.muli %scan3A_19, %mul3A_313 : i32
      %add3A_315 = arith.constant 13 : i32
      %add3A_316 = arith.addi %mul3A_314, %add3A_315 : i32
      %dma_start3A_317 = arith.constant 0 : i32
      %dma_start3A_318 = tpu.memref_slice %arg6[%add3A_316, %dma_start3A_317] : memref<512x64xf32, #tpu.memory_space<vmem>> -> memref<1x64xf32, #tpu.memory_space<vmem>>
      %dma_start3A_319 = arith.constant 0 : i32
      %dma_start3A_320 = tpu.memref_slice %arg2[%reduce_sum3A_312, %dma_start3A_319] : memref<100000x64xf32, #tpu.memory_space<hbm>> -> memref<1x64xf32, #tpu.memory_space<hbm>>
      %dma_start3A_321 = arith.constant 0 : i32
      %dma_start3A_322 = tpu.memref_slice %arg6[%add3A_316, %dma_start3A_321] : memref<512x64xf32, #tpu.memory_space<vmem>> -> memref<1x64xf32, #tpu.memory_space<vmem>>
      %dma_start3A_323 = arith.constant 0 : i32
      %dma_start3A_324 = tpu.memref_slice %arg2[%reduce_sum3A_312, %dma_start3A_323] : memref<100000x64xf32, #tpu.memory_space<hbm>> -> memref<1x64xf32, #tpu.memory_space<hbm>>
      tpu.enqueue_dma source(%dma_start3A_324 : memref<1x64xf32, #tpu.memory_space<hbm>>) target(%dma_start3A_322 : memref<1x64xf32, #tpu.memory_space<vmem>>) target_semaphore(%arg7 : memref<!tpu.dma_semaphore, #tpu.memory_space<semaphore_mem>>)
      %eq3A_325 = arith.constant 14 : i32
      %eq3A_326 = vector.broadcast %eq3A_325 : i32 to vector<16xi32>
      %eq3A_327 = arith.cmpi eq, %iota3A, %eq3A_326 : vector<16xi32>
      %jit3A_328 = arith.constant 0 : i32
      %broadcast_in_dim3A_329 = vector.broadcast %jit3A_328 : i32 to vector<16xi32>
      %select_n3A_330 = arith.select %eq3A_327, %get3A_22, %broadcast_in_dim3A_329 : vector<16xi1>, vector<16xi32>
      %reduce_sum3A_331 = arith.constant true
      %reduce_sum3A_332 = vector.broadcast %reduce_sum3A_331 : i1 to vector<16xi1>
      %reduce_sum3A_333 = tpu.scan <sum>, %select_n3A_330 masked %reduce_sum3A_332 : vector<16xi32>, vector<16xi1> -> vector<16xi32>
      %reduce_sum3A_334 = vector.extract %reduce_sum3A_333[15] : i32 from vector<16xi32>
      %mul3A_335 = arith.constant 16 : i32
      %mul3A_336 = arith.muli %scan3A_19, %mul3A_335 : i32
      %add3A_337 = arith.constant 14 : i32
      %add3A_338 = arith.addi %mul3A_336, %add3A_337 : i32
      %dma_start3A_339 = arith.constant 0 : i32
      %dma_start3A_340 = tpu.memref_slice %arg6[%add3A_338, %dma_start3A_339] : memref<512x64xf32, #tpu.memory_space<vmem>> -> memref<1x64xf32, #tpu.memory_space<vmem>>
      %dma_start3A_341 = arith.constant 0 : i32
      %dma_start3A_342 = tpu.memref_slice %arg2[%reduce_sum3A_334, %dma_start3A_341] : memref<100000x64xf32, #tpu.memory_space<hbm>> -> memref<1x64xf32, #tpu.memory_space<hbm>>
      %dma_start3A_343 = arith.constant 0 : i32
      %dma_start3A_344 = tpu.memref_slice %arg6[%add3A_338, %dma_start3A_343] : memref<512x64xf32, #tpu.memory_space<vmem>> -> memref<1x64xf32, #tpu.memory_space<vmem>>
      %dma_start3A_345 = arith.constant 0 : i32
      %dma_start3A_346 = tpu.memref_slice %arg2[%reduce_sum3A_334, %dma_start3A_345] : memref<100000x64xf32, #tpu.memory_space<hbm>> -> memref<1x64xf32, #tpu.memory_space<hbm>>
      tpu.enqueue_dma source(%dma_start3A_346 : memref<1x64xf32, #tpu.memory_space<hbm>>) target(%dma_start3A_344 : memref<1x64xf32, #tpu.memory_space<vmem>>) target_semaphore(%arg7 : memref<!tpu.dma_semaphore, #tpu.memory_space<semaphore_mem>>)
      %eq3A_347 = arith.constant 15 : i32
      %eq3A_348 = vector.broadcast %eq3A_347 : i32 to vector<16xi32>
      %eq3A_349 = arith.cmpi eq, %iota3A, %eq3A_348 : vector<16xi32>
      %jit3A_350 = arith.constant 0 : i32
      %broadcast_in_dim3A_351 = vector.broadcast %jit3A_350 : i32 to vector<16xi32>
      %select_n3A_352 = arith.select %eq3A_349, %get3A_22, %broadcast_in_dim3A_351 : vector<16xi1>, vector<16xi32>
      %reduce_sum3A_353 = arith.constant true
      %reduce_sum3A_354 = vector.broadcast %reduce_sum3A_353 : i1 to vector<16xi1>
      %reduce_sum3A_355 = tpu.scan <sum>, %select_n3A_352 masked %reduce_sum3A_354 : vector<16xi32>, vector<16xi1> -> vector<16xi32>
      %reduce_sum3A_356 = vector.extract %reduce_sum3A_355[15] : i32 from vector<16xi32>
      %mul3A_357 = arith.constant 16 : i32
      %mul3A_358 = arith.muli %scan3A_19, %mul3A_357 : i32
      %add3A_359 = arith.constant 15 : i32
      %add3A_360 = arith.addi %mul3A_358, %add3A_359 : i32
      %dma_start3A_361 = arith.constant 0 : i32
      %dma_start3A_362 = tpu.memref_slice %arg6[%add3A_360, %dma_start3A_361] : memref<512x64xf32, #tpu.memory_space<vmem>> -> memref<1x64xf32, #tpu.memory_space<vmem>>
      %dma_start3A_363 = arith.constant 0 : i32
      %dma_start3A_364 = tpu.memref_slice %arg2[%reduce_sum3A_356, %dma_start3A_363] : memref<100000x64xf32, #tpu.memory_space<hbm>> -> memref<1x64xf32, #tpu.memory_space<hbm>>
      %dma_start3A_365 = arith.constant 0 : i32
      %dma_start3A_366 = tpu.memref_slice %arg6[%add3A_360, %dma_start3A_365] : memref<512x64xf32, #tpu.memory_space<vmem>> -> memref<1x64xf32, #tpu.memory_space<vmem>>
      %dma_start3A_367 = arith.constant 0 : i32
      %dma_start3A_368 = tpu.memref_slice %arg2[%reduce_sum3A_356, %dma_start3A_367] : memref<100000x64xf32, #tpu.memory_space<hbm>> -> memref<1x64xf32, #tpu.memory_space<hbm>>
      tpu.enqueue_dma source(%dma_start3A_368 : memref<1x64xf32, #tpu.memory_space<hbm>>) target(%dma_start3A_366 : memref<1x64xf32, #tpu.memory_space<vmem>>) target_semaphore(%arg7 : memref<!tpu.dma_semaphore, #tpu.memory_space<semaphore_mem>>)
      %ge3A = arith.constant 7 : i32
      %ge3A_369 = arith.cmpi sge, %scan3A_19, %ge3A : i32
      %jit3A_370 = arith.constant 4 : i32
      %eq3A_371 = arith.constant 0 : i32
      %eq3A_372 = arith.cmpi eq, %jit3A_370, %eq3A_371 : i32
      %jit3A_373 = arith.constant 1 : i32
      %select_n3A_374 = arith.select %eq3A_372, %jit3A_373, %jit3A_370 : i32
      %rem3A = arith.remsi %scan3A_19, %select_n3A_374 : i32
      %ne3A = arith.constant 0 : i32
      %ne3A_375 = arith.cmpi ne, %rem3A, %ne3A : i32
      %lt3A = arith.constant 0 : i32
      %lt3A_376 = arith.cmpi slt, %rem3A, %lt3A : i32
      %lt3A_377 = arith.constant 0 : i32
      %lt3A_378 = arith.cmpi slt, %select_n3A_374, %lt3A_377 : i32
      %ne3A_379 = arith.xori %lt3A_376, %lt3A_378 : i1
      %and3A = arith.andi %ne3A_379, %ne3A_375 : i1
      %add3A_380 = arith.addi %rem3A, %select_n3A_374 : i32
      %select_n3A_381 = arith.select %and3A, %add3A_380, %rem3A : i32
      %eq3A_382 = arith.constant 3 : i32
      %eq3A_383 = arith.cmpi eq, %select_n3A_381, %eq3A_382 : i32
      %and3A_384 = arith.andi %ge3A_369, %eq3A_383 : i1
      %convert_element_type3A = arith.extui %and3A_384 : i1 to i32
      %cond3A = arith.constant 0 : i32
      %cond3A_385 = arith.cmpi ne, %convert_element_type3A, %cond3A : i32
      scf.if %cond3A_385 {
        %dma_wait3A_768 = arith.constant 0 : i32
        %dma_wait3A_769 = arith.constant 0 : i32
        %dma_wait3A_770 = tpu.memref_slice %arg6[%dma_wait3A_768, %dma_wait3A_769] : memref<512x64xf32, #tpu.memory_space<vmem>> -> memref<64x64xf32, #tpu.memory_space<vmem>>
        %dma_wait3A_771 = arith.constant 0 : i32
        %dma_wait3A_772 = arith.constant 0 : i32
        %dma_wait3A_773 = tpu.memref_slice %arg2[%dma_wait3A_771, %dma_wait3A_772] : memref<100000x64xf32, #tpu.memory_space<hbm>> -> memref<64x64xf32, #tpu.memory_space<hbm>>
        %dma_wait3A_774 = arith.constant 0 : i32
        %dma_wait3A_775 = arith.constant 0 : i32
        %dma_wait3A_776 = tpu.memref_slice %arg6[%dma_wait3A_774, %dma_wait3A_775] : memref<512x64xf32, #tpu.memory_space<vmem>> -> memref<64x64xf32, #tpu.memory_space<vmem>>
        %dma_wait3A_777 = arith.constant 0 : i32
        %dma_wait3A_778 = arith.constant 0 : i32
        %dma_wait3A_779 = tpu.memref_slice %arg2[%dma_wait3A_777, %dma_wait3A_778] : memref<100000x64xf32, #tpu.memory_space<hbm>> -> memref<64x64xf32, #tpu.memory_space<hbm>>
        tpu.wait_dma2 semaphore(%arg7 : memref<!tpu.dma_semaphore, #tpu.memory_space<semaphore_mem>>) src(%dma_wait3A_779 : memref<64x64xf32, #tpu.memory_space<hbm>>) dst(%dma_wait3A_776 : memref<64x64xf32, #tpu.memory_space<vmem>>)
      } else {
      }
      %scan3A_386 = arith.constant 1 : i32
      %scan3A_387 = arith.addi %scan3A_19, %scan3A_386 : i32
      %mul3A_388 = arith.constant 16 : i32
      %mul3A_389 = arith.muli %scan3A_387, %mul3A_388 : i32
      %get3A_390 = arith.index_cast %mul3A_389 : i32 to index
      %get3A_391 = tpu.vector_load %arg5[%get3A_390] {strides = array<i32>} : memref<512xi32, #tpu.memory_space<vmem>>, vector<16xi32>,
      %eq3A_392 = arith.constant 0 : i32
      %eq3A_393 = vector.broadcast %eq3A_392 : i32 to vector<16xi32>
      %eq3A_394 = arith.cmpi eq, %iota3A, %eq3A_393 : vector<16xi32>
      %jit3A_395 = arith.constant 0 : i32
      %broadcast_in_dim3A_396 = vector.broadcast %jit3A_395 : i32 to vector<16xi32>
      %select_n3A_397 = arith.select %eq3A_394, %get3A_391, %broadcast_in_dim3A_396 : vector<16xi1>, vector<16xi32>
      %reduce_sum3A_398 = arith.constant true
      %reduce_sum3A_399 = vector.broadcast %reduce_sum3A_398 : i1 to vector<16xi1>
      %reduce_sum3A_400 = tpu.scan <sum>, %select_n3A_397 masked %reduce_sum3A_399 : vector<16xi32>, vector<16xi1> -> vector<16xi32>
      %reduce_sum3A_401 = vector.extract %reduce_sum3A_400[15] : i32 from vector<16xi32>
      %mul3A_402 = arith.constant 16 : i32
      %mul3A_403 = arith.muli %scan3A_387, %mul3A_402 : i32
      %add3A_404 = arith.constant 0 : i32
      %add3A_405 = arith.addi %mul3A_403, %add3A_404 : i32
      %dma_start3A_406 = arith.constant 0 : i32
      %dma_start3A_407 = tpu.memref_slice %arg6[%add3A_405, %dma_start3A_406] : memref<512x64xf32, #tpu.memory_space<vmem>> -> memref<1x64xf32, #tpu.memory_space<vmem>>
      %dma_start3A_408 = arith.constant 0 : i32
      %dma_start3A_409 = tpu.memref_slice %arg2[%reduce_sum3A_401, %dma_start3A_408] : memref<100000x64xf32, #tpu.memory_space<hbm>> -> memref<1x64xf32, #tpu.memory_space<hbm>>
      %dma_start3A_410 = arith.constant 0 : i32
      %dma_start3A_411 = tpu.memref_slice %arg6[%add3A_405, %dma_start3A_410] : memref<512x64xf32, #tpu.memory_space<vmem>> -> memref<1x64xf32, #tpu.memory_space<vmem>>
      %dma_start3A_412 = arith.constant 0 : i32
      %dma_start3A_413 = tpu.memref_slice %arg2[%reduce_sum3A_401, %dma_start3A_412] : memref<100000x64xf32, #tpu.memory_space<hbm>> -> memref<1x64xf32, #tpu.memory_space<hbm>>
      tpu.enqueue_dma source(%dma_start3A_413 : memref<1x64xf32, #tpu.memory_space<hbm>>) target(%dma_start3A_411 : memref<1x64xf32, #tpu.memory_space<vmem>>) target_semaphore(%arg7 : memref<!tpu.dma_semaphore, #tpu.memory_space<semaphore_mem>>)
      %eq3A_414 = arith.constant 1 : i32
      %eq3A_415 = vector.broadcast %eq3A_414 : i32 to vector<16xi32>
      %eq3A_416 = arith.cmpi eq, %iota3A, %eq3A_415 : vector<16xi32>
      %jit3A_417 = arith.constant 0 : i32
      %broadcast_in_dim3A_418 = vector.broadcast %jit3A_417 : i32 to vector<16xi32>
      %select_n3A_419 = arith.select %eq3A_416, %get3A_391, %broadcast_in_dim3A_418 : vector<16xi1>, vector<16xi32>
      %reduce_sum3A_420 = arith.constant true
      %reduce_sum3A_421 = vector.broadcast %reduce_sum3A_420 : i1 to vector<16xi1>
      %reduce_sum3A_422 = tpu.scan <sum>, %select_n3A_419 masked %reduce_sum3A_421 : vector<16xi32>, vector<16xi1> -> vector<16xi32>
      %reduce_sum3A_423 = vector.extract %reduce_sum3A_422[15] : i32 from vector<16xi32>
      %mul3A_424 = arith.constant 16 : i32
      %mul3A_425 = arith.muli %scan3A_387, %mul3A_424 : i32
      %add3A_426 = arith.constant 1 : i32
      %add3A_427 = arith.addi %mul3A_425, %add3A_426 : i32
      %dma_start3A_428 = arith.constant 0 : i32
      %dma_start3A_429 = tpu.memref_slice %arg6[%add3A_427, %dma_start3A_428] : memref<512x64xf32, #tpu.memory_space<vmem>> -> memref<1x64xf32, #tpu.memory_space<vmem>>
      %dma_start3A_430 = arith.constant 0 : i32
      %dma_start3A_431 = tpu.memref_slice %arg2[%reduce_sum3A_423, %dma_start3A_430] : memref<100000x64xf32, #tpu.memory_space<hbm>> -> memref<1x64xf32, #tpu.memory_space<hbm>>
      %dma_start3A_432 = arith.constant 0 : i32
      %dma_start3A_433 = tpu.memref_slice %arg6[%add3A_427, %dma_start3A_432] : memref<512x64xf32, #tpu.memory_space<vmem>> -> memref<1x64xf32, #tpu.memory_space<vmem>>
      %dma_start3A_434 = arith.constant 0 : i32
      %dma_start3A_435 = tpu.memref_slice %arg2[%reduce_sum3A_423, %dma_start3A_434] : memref<100000x64xf32, #tpu.memory_space<hbm>> -> memref<1x64xf32, #tpu.memory_space<hbm>>
      tpu.enqueue_dma source(%dma_start3A_435 : memref<1x64xf32, #tpu.memory_space<hbm>>) target(%dma_start3A_433 : memref<1x64xf32, #tpu.memory_space<vmem>>) target_semaphore(%arg7 : memref<!tpu.dma_semaphore, #tpu.memory_space<semaphore_mem>>)
      %eq3A_436 = arith.constant 2 : i32
      %eq3A_437 = vector.broadcast %eq3A_436 : i32 to vector<16xi32>
      %eq3A_438 = arith.cmpi eq, %iota3A, %eq3A_437 : vector<16xi32>
      %jit3A_439 = arith.constant 0 : i32
      %broadcast_in_dim3A_440 = vector.broadcast %jit3A_439 : i32 to vector<16xi32>
      %select_n3A_441 = arith.select %eq3A_438, %get3A_391, %broadcast_in_dim3A_440 : vector<16xi1>, vector<16xi32>
      %reduce_sum3A_442 = arith.constant true
      %reduce_sum3A_443 = vector.broadcast %reduce_sum3A_442 : i1 to vector<16xi1>
      %reduce_sum3A_444 = tpu.scan <sum>, %select_n3A_441 masked %reduce_sum3A_443 : vector<16xi32>, vector<16xi1> -> vector<16xi32>
      %reduce_sum3A_445 = vector.extract %reduce_sum3A_444[15] : i32 from vector<16xi32>
      %mul3A_446 = arith.constant 16 : i32
      %mul3A_447 = arith.muli %scan3A_387, %mul3A_446 : i32
      %add3A_448 = arith.constant 2 : i32
      %add3A_449 = arith.addi %mul3A_447, %add3A_448 : i32
      %dma_start3A_450 = arith.constant 0 : i32
      %dma_start3A_451 = tpu.memref_slice %arg6[%add3A_449, %dma_start3A_450] : memref<512x64xf32, #tpu.memory_space<vmem>> -> memref<1x64xf32, #tpu.memory_space<vmem>>
      %dma_start3A_452 = arith.constant 0 : i32
      %dma_start3A_453 = tpu.memref_slice %arg2[%reduce_sum3A_445, %dma_start3A_452] : memref<100000x64xf32, #tpu.memory_space<hbm>> -> memref<1x64xf32, #tpu.memory_space<hbm>>
      %dma_start3A_454 = arith.constant 0 : i32
      %dma_start3A_455 = tpu.memref_slice %arg6[%add3A_449, %dma_start3A_454] : memref<512x64xf32, #tpu.memory_space<vmem>> -> memref<1x64xf32, #tpu.memory_space<vmem>>
      %dma_start3A_456 = arith.constant 0 : i32
      %dma_start3A_457 = tpu.memref_slice %arg2[%reduce_sum3A_445, %dma_start3A_456] : memref<100000x64xf32, #tpu.memory_space<hbm>> -> memref<1x64xf32, #tpu.memory_space<hbm>>
      tpu.enqueue_dma source(%dma_start3A_457 : memref<1x64xf32, #tpu.memory_space<hbm>>) target(%dma_start3A_455 : memref<1x64xf32, #tpu.memory_space<vmem>>) target_semaphore(%arg7 : memref<!tpu.dma_semaphore, #tpu.memory_space<semaphore_mem>>)
      %eq3A_458 = arith.constant 3 : i32
      %eq3A_459 = vector.broadcast %eq3A_458 : i32 to vector<16xi32>
      %eq3A_460 = arith.cmpi eq, %iota3A, %eq3A_459 : vector<16xi32>
      %jit3A_461 = arith.constant 0 : i32
      %broadcast_in_dim3A_462 = vector.broadcast %jit3A_461 : i32 to vector<16xi32>
      %select_n3A_463 = arith.select %eq3A_460, %get3A_391, %broadcast_in_dim3A_462 : vector<16xi1>, vector<16xi32>
      %reduce_sum3A_464 = arith.constant true
      %reduce_sum3A_465 = vector.broadcast %reduce_sum3A_464 : i1 to vector<16xi1>
      %reduce_sum3A_466 = tpu.scan <sum>, %select_n3A_463 masked %reduce_sum3A_465 : vector<16xi32>, vector<16xi1> -> vector<16xi32>
      %reduce_sum3A_467 = vector.extract %reduce_sum3A_466[15] : i32 from vector<16xi32>
      %mul3A_468 = arith.constant 16 : i32
      %mul3A_469 = arith.muli %scan3A_387, %mul3A_468 : i32
      %add3A_470 = arith.constant 3 : i32
      %add3A_471 = arith.addi %mul3A_469, %add3A_470 : i32
      %dma_start3A_472 = arith.constant 0 : i32
      %dma_start3A_473 = tpu.memref_slice %arg6[%add3A_471, %dma_start3A_472] : memref<512x64xf32, #tpu.memory_space<vmem>> -> memref<1x64xf32, #tpu.memory_space<vmem>>
      %dma_start3A_474 = arith.constant 0 : i32
      %dma_start3A_475 = tpu.memref_slice %arg2[%reduce_sum3A_467, %dma_start3A_474] : memref<100000x64xf32, #tpu.memory_space<hbm>> -> memref<1x64xf32, #tpu.memory_space<hbm>>
      %dma_start3A_476 = arith.constant 0 : i32
      %dma_start3A_477 = tpu.memref_slice %arg6[%add3A_471, %dma_start3A_476] : memref<512x64xf32, #tpu.memory_space<vmem>> -> memref<1x64xf32, #tpu.memory_space<vmem>>
      %dma_start3A_478 = arith.constant 0 : i32
      %dma_start3A_479 = tpu.memref_slice %arg2[%reduce_sum3A_467, %dma_start3A_478] : memref<100000x64xf32, #tpu.memory_space<hbm>> -> memref<1x64xf32, #tpu.memory_space<hbm>>
      tpu.enqueue_dma source(%dma_start3A_479 : memref<1x64xf32, #tpu.memory_space<hbm>>) target(%dma_start3A_477 : memref<1x64xf32, #tpu.memory_space<vmem>>) target_semaphore(%arg7 : memref<!tpu.dma_semaphore, #tpu.memory_space<semaphore_mem>>)
      %eq3A_480 = arith.constant 4 : i32
      %eq3A_481 = vector.broadcast %eq3A_480 : i32 to vector<16xi32>
      %eq3A_482 = arith.cmpi eq, %iota3A, %eq3A_481 : vector<16xi32>
      %jit3A_483 = arith.constant 0 : i32
      %broadcast_in_dim3A_484 = vector.broadcast %jit3A_483 : i32 to vector<16xi32>
      %select_n3A_485 = arith.select %eq3A_482, %get3A_391, %broadcast_in_dim3A_484 : vector<16xi1>, vector<16xi32>
      %reduce_sum3A_486 = arith.constant true
      %reduce_sum3A_487 = vector.broadcast %reduce_sum3A_486 : i1 to vector<16xi1>
      %reduce_sum3A_488 = tpu.scan <sum>, %select_n3A_485 masked %reduce_sum3A_487 : vector<16xi32>, vector<16xi1> -> vector<16xi32>
      %reduce_sum3A_489 = vector.extract %reduce_sum3A_488[15] : i32 from vector<16xi32>
      %mul3A_490 = arith.constant 16 : i32
      %mul3A_491 = arith.muli %scan3A_387, %mul3A_490 : i32
      %add3A_492 = arith.constant 4 : i32
      %add3A_493 = arith.addi %mul3A_491, %add3A_492 : i32
      %dma_start3A_494 = arith.constant 0 : i32
      %dma_start3A_495 = tpu.memref_slice %arg6[%add3A_493, %dma_start3A_494] : memref<512x64xf32, #tpu.memory_space<vmem>> -> memref<1x64xf32, #tpu.memory_space<vmem>>
      %dma_start3A_496 = arith.constant 0 : i32
      %dma_start3A_497 = tpu.memref_slice %arg2[%reduce_sum3A_489, %dma_start3A_496] : memref<100000x64xf32, #tpu.memory_space<hbm>> -> memref<1x64xf32, #tpu.memory_space<hbm>>
      %dma_start3A_498 = arith.constant 0 : i32
      %dma_start3A_499 = tpu.memref_slice %arg6[%add3A_493, %dma_start3A_498] : memref<512x64xf32, #tpu.memory_space<vmem>> -> memref<1x64xf32, #tpu.memory_space<vmem>>
      %dma_start3A_500 = arith.constant 0 : i32
      %dma_start3A_501 = tpu.memref_slice %arg2[%reduce_sum3A_489, %dma_start3A_500] : memref<100000x64xf32, #tpu.memory_space<hbm>> -> memref<1x64xf32, #tpu.memory_space<hbm>>
      tpu.enqueue_dma source(%dma_start3A_501 : memref<1x64xf32, #tpu.memory_space<hbm>>) target(%dma_start3A_499 : memref<1x64xf32, #tpu.memory_space<vmem>>) target_semaphore(%arg7 : memref<!tpu.dma_semaphore, #tpu.memory_space<semaphore_mem>>)
      %eq3A_502 = arith.constant 5 : i32
      %eq3A_503 = vector.broadcast %eq3A_502 : i32 to vector<16xi32>
      %eq3A_504 = arith.cmpi eq, %iota3A, %eq3A_503 : vector<16xi32>
      %jit3A_505 = arith.constant 0 : i32
      %broadcast_in_dim3A_506 = vector.broadcast %jit3A_505 : i32 to vector<16xi32>
      %select_n3A_507 = arith.select %eq3A_504, %get3A_391, %broadcast_in_dim3A_506 : vector<16xi1>, vector<16xi32>
      %reduce_sum3A_508 = arith.constant true
      %reduce_sum3A_509 = vector.broadcast %reduce_sum3A_508 : i1 to vector<16xi1>
      %reduce_sum3A_510 = tpu.scan <sum>, %select_n3A_507 masked %reduce_sum3A_509 : vector<16xi32>, vector<16xi1> -> vector<16xi32>
      %reduce_sum3A_511 = vector.extract %reduce_sum3A_510[15] : i32 from vector<16xi32>
      %mul3A_512 = arith.constant 16 : i32
      %mul3A_513 = arith.muli %scan3A_387, %mul3A_512 : i32
      %add3A_514 = arith.constant 5 : i32
      %add3A_515 = arith.addi %mul3A_513, %add3A_514 : i32
      %dma_start3A_516 = arith.constant 0 : i32
      %dma_start3A_517 = tpu.memref_slice %arg6[%add3A_515, %dma_start3A_516] : memref<512x64xf32, #tpu.memory_space<vmem>> -> memref<1x64xf32, #tpu.memory_space<vmem>>
      %dma_start3A_518 = arith.constant 0 : i32
      %dma_start3A_519 = tpu.memref_slice %arg2[%reduce_sum3A_511, %dma_start3A_518] : memref<100000x64xf32, #tpu.memory_space<hbm>> -> memref<1x64xf32, #tpu.memory_space<hbm>>
      %dma_start3A_520 = arith.constant 0 : i32
      %dma_start3A_521 = tpu.memref_slice %arg6[%add3A_515, %dma_start3A_520] : memref<512x64xf32, #tpu.memory_space<vmem>> -> memref<1x64xf32, #tpu.memory_space<vmem>>
      %dma_start3A_522 = arith.constant 0 : i32
      %dma_start3A_523 = tpu.memref_slice %arg2[%reduce_sum3A_511, %dma_start3A_522] : memref<100000x64xf32, #tpu.memory_space<hbm>> -> memref<1x64xf32, #tpu.memory_space<hbm>>
      tpu.enqueue_dma source(%dma_start3A_523 : memref<1x64xf32, #tpu.memory_space<hbm>>) target(%dma_start3A_521 : memref<1x64xf32, #tpu.memory_space<vmem>>) target_semaphore(%arg7 : memref<!tpu.dma_semaphore, #tpu.memory_space<semaphore_mem>>)
      %eq3A_524 = arith.constant 6 : i32
      %eq3A_525 = vector.broadcast %eq3A_524 : i32 to vector<16xi32>
      %eq3A_526 = arith.cmpi eq, %iota3A, %eq3A_525 : vector<16xi32>
      %jit3A_527 = arith.constant 0 : i32
      %broadcast_in_dim3A_528 = vector.broadcast %jit3A_527 : i32 to vector<16xi32>
      %select_n3A_529 = arith.select %eq3A_526, %get3A_391, %broadcast_in_dim3A_528 : vector<16xi1>, vector<16xi32>
      %reduce_sum3A_530 = arith.constant true
      %reduce_sum3A_531 = vector.broadcast %reduce_sum3A_530 : i1 to vector<16xi1>
      %reduce_sum3A_532 = tpu.scan <sum>, %select_n3A_529 masked %reduce_sum3A_531 : vector<16xi32>, vector<16xi1> -> vector<16xi32>
      %reduce_sum3A_533 = vector.extract %reduce_sum3A_532[15] : i32 from vector<16xi32>
      %mul3A_534 = arith.constant 16 : i32
      %mul3A_535 = arith.muli %scan3A_387, %mul3A_534 : i32
      %add3A_536 = arith.constant 6 : i32
      %add3A_537 = arith.addi %mul3A_535, %add3A_536 : i32
      %dma_start3A_538 = arith.constant 0 : i32
      %dma_start3A_539 = tpu.memref_slice %arg6[%add3A_537, %dma_start3A_538] : memref<512x64xf32, #tpu.memory_space<vmem>> -> memref<1x64xf32, #tpu.memory_space<vmem>>
      %dma_start3A_540 = arith.constant 0 : i32
      %dma_start3A_541 = tpu.memref_slice %arg2[%reduce_sum3A_533, %dma_start3A_540] : memref<100000x64xf32, #tpu.memory_space<hbm>> -> memref<1x64xf32, #tpu.memory_space<hbm>>
      %dma_start3A_542 = arith.constant 0 : i32
      %dma_start3A_543 = tpu.memref_slice %arg6[%add3A_537, %dma_start3A_542] : memref<512x64xf32, #tpu.memory_space<vmem>> -> memref<1x64xf32, #tpu.memory_space<vmem>>
      %dma_start3A_544 = arith.constant 0 : i32
      %dma_start3A_545 = tpu.memref_slice %arg2[%reduce_sum3A_533, %dma_start3A_544] : memref<100000x64xf32, #tpu.memory_space<hbm>> -> memref<1x64xf32, #tpu.memory_space<hbm>>
      tpu.enqueue_dma source(%dma_start3A_545 : memref<1x64xf32, #tpu.memory_space<hbm>>) target(%dma_start3A_543 : memref<1x64xf32, #tpu.memory_space<vmem>>) target_semaphore(%arg7 : memref<!tpu.dma_semaphore, #tpu.memory_space<semaphore_mem>>)
      %eq3A_546 = arith.constant 7 : i32
      %eq3A_547 = vector.broadcast %eq3A_546 : i32 to vector<16xi32>
      %eq3A_548 = arith.cmpi eq, %iota3A, %eq3A_547 : vector<16xi32>
      %jit3A_549 = arith.constant 0 : i32
      %broadcast_in_dim3A_550 = vector.broadcast %jit3A_549 : i32 to vector<16xi32>
      %select_n3A_551 = arith.select %eq3A_548, %get3A_391, %broadcast_in_dim3A_550 : vector<16xi1>, vector<16xi32>
      %reduce_sum3A_552 = arith.constant true
      %reduce_sum3A_553 = vector.broadcast %reduce_sum3A_552 : i1 to vector<16xi1>
      %reduce_sum3A_554 = tpu.scan <sum>, %select_n3A_551 masked %reduce_sum3A_553 : vector<16xi32>, vector<16xi1> -> vector<16xi32>
      %reduce_sum3A_555 = vector.extract %reduce_sum3A_554[15] : i32 from vector<16xi32>
      %mul3A_556 = arith.constant 16 : i32
      %mul3A_557 = arith.muli %scan3A_387, %mul3A_556 : i32
      %add3A_558 = arith.constant 7 : i32
      %add3A_559 = arith.addi %mul3A_557, %add3A_558 : i32
      %dma_start3A_560 = arith.constant 0 : i32
      %dma_start3A_561 = tpu.memref_slice %arg6[%add3A_559, %dma_start3A_560] : memref<512x64xf32, #tpu.memory_space<vmem>> -> memref<1x64xf32, #tpu.memory_space<vmem>>
      %dma_start3A_562 = arith.constant 0 : i32
      %dma_start3A_563 = tpu.memref_slice %arg2[%reduce_sum3A_555, %dma_start3A_562] : memref<100000x64xf32, #tpu.memory_space<hbm>> -> memref<1x64xf32, #tpu.memory_space<hbm>>
      %dma_start3A_564 = arith.constant 0 : i32
      %dma_start3A_565 = tpu.memref_slice %arg6[%add3A_559, %dma_start3A_564] : memref<512x64xf32, #tpu.memory_space<vmem>> -> memref<1x64xf32, #tpu.memory_space<vmem>>
      %dma_start3A_566 = arith.constant 0 : i32
      %dma_start3A_567 = tpu.memref_slice %arg2[%reduce_sum3A_555, %dma_start3A_566] : memref<100000x64xf32, #tpu.memory_space<hbm>> -> memref<1x64xf32, #tpu.memory_space<hbm>>
      tpu.enqueue_dma source(%dma_start3A_567 : memref<1x64xf32, #tpu.memory_space<hbm>>) target(%dma_start3A_565 : memref<1x64xf32, #tpu.memory_space<vmem>>) target_semaphore(%arg7 : memref<!tpu.dma_semaphore, #tpu.memory_space<semaphore_mem>>)
      %eq3A_568 = arith.constant 8 : i32
      %eq3A_569 = vector.broadcast %eq3A_568 : i32 to vector<16xi32>
      %eq3A_570 = arith.cmpi eq, %iota3A, %eq3A_569 : vector<16xi32>
      %jit3A_571 = arith.constant 0 : i32
      %broadcast_in_dim3A_572 = vector.broadcast %jit3A_571 : i32 to vector<16xi32>
      %select_n3A_573 = arith.select %eq3A_570, %get3A_391, %broadcast_in_dim3A_572 : vector<16xi1>, vector<16xi32>
      %reduce_sum3A_574 = arith.constant true
      %reduce_sum3A_575 = vector.broadcast %reduce_sum3A_574 : i1 to vector<16xi1>
      %reduce_sum3A_576 = tpu.scan <sum>, %select_n3A_573 masked %reduce_sum3A_575 : vector<16xi32>, vector<16xi1> -> vector<16xi32>
      %reduce_sum3A_577 = vector.extract %reduce_sum3A_576[15] : i32 from vector<16xi32>
      %mul3A_578 = arith.constant 16 : i32
      %mul3A_579 = arith.muli %scan3A_387, %mul3A_578 : i32
      %add3A_580 = arith.constant 8 : i32
      %add3A_581 = arith.addi %mul3A_579, %add3A_580 : i32
      %dma_start3A_582 = arith.constant 0 : i32
      %dma_start3A_583 = tpu.memref_slice %arg6[%add3A_581, %dma_start3A_582] : memref<512x64xf32, #tpu.memory_space<vmem>> -> memref<1x64xf32, #tpu.memory_space<vmem>>
      %dma_start3A_584 = arith.constant 0 : i32
      %dma_start3A_585 = tpu.memref_slice %arg2[%reduce_sum3A_577, %dma_start3A_584] : memref<100000x64xf32, #tpu.memory_space<hbm>> -> memref<1x64xf32, #tpu.memory_space<hbm>>
      %dma_start3A_586 = arith.constant 0 : i32
      %dma_start3A_587 = tpu.memref_slice %arg6[%add3A_581, %dma_start3A_586] : memref<512x64xf32, #tpu.memory_space<vmem>> -> memref<1x64xf32, #tpu.memory_space<vmem>>
      %dma_start3A_588 = arith.constant 0 : i32
      %dma_start3A_589 = tpu.memref_slice %arg2[%reduce_sum3A_577, %dma_start3A_588] : memref<100000x64xf32, #tpu.memory_space<hbm>> -> memref<1x64xf32, #tpu.memory_space<hbm>>
      tpu.enqueue_dma source(%dma_start3A_589 : memref<1x64xf32, #tpu.memory_space<hbm>>) target(%dma_start3A_587 : memref<1x64xf32, #tpu.memory_space<vmem>>) target_semaphore(%arg7 : memref<!tpu.dma_semaphore, #tpu.memory_space<semaphore_mem>>)
      %eq3A_590 = arith.constant 9 : i32
      %eq3A_591 = vector.broadcast %eq3A_590 : i32 to vector<16xi32>
      %eq3A_592 = arith.cmpi eq, %iota3A, %eq3A_591 : vector<16xi32>
      %jit3A_593 = arith.constant 0 : i32
      %broadcast_in_dim3A_594 = vector.broadcast %jit3A_593 : i32 to vector<16xi32>
      %select_n3A_595 = arith.select %eq3A_592, %get3A_391, %broadcast_in_dim3A_594 : vector<16xi1>, vector<16xi32>
      %reduce_sum3A_596 = arith.constant true
      %reduce_sum3A_597 = vector.broadcast %reduce_sum3A_596 : i1 to vector<16xi1>
      %reduce_sum3A_598 = tpu.scan <sum>, %select_n3A_595 masked %reduce_sum3A_597 : vector<16xi32>, vector<16xi1> -> vector<16xi32>
      %reduce_sum3A_599 = vector.extract %reduce_sum3A_598[15] : i32 from vector<16xi32>
      %mul3A_600 = arith.constant 16 : i32
      %mul3A_601 = arith.muli %scan3A_387, %mul3A_600 : i32
      %add3A_602 = arith.constant 9 : i32
      %add3A_603 = arith.addi %mul3A_601, %add3A_602 : i32
      %dma_start3A_604 = arith.constant 0 : i32
      %dma_start3A_605 = tpu.memref_slice %arg6[%add3A_603, %dma_start3A_604] : memref<512x64xf32, #tpu.memory_space<vmem>> -> memref<1x64xf32, #tpu.memory_space<vmem>>
      %dma_start3A_606 = arith.constant 0 : i32
      %dma_start3A_607 = tpu.memref_slice %arg2[%reduce_sum3A_599, %dma_start3A_606] : memref<100000x64xf32, #tpu.memory_space<hbm>> -> memref<1x64xf32, #tpu.memory_space<hbm>>
      %dma_start3A_608 = arith.constant 0 : i32
      %dma_start3A_609 = tpu.memref_slice %arg6[%add3A_603, %dma_start3A_608] : memref<512x64xf32, #tpu.memory_space<vmem>> -> memref<1x64xf32, #tpu.memory_space<vmem>>
      %dma_start3A_610 = arith.constant 0 : i32
      %dma_start3A_611 = tpu.memref_slice %arg2[%reduce_sum3A_599, %dma_start3A_610] : memref<100000x64xf32, #tpu.memory_space<hbm>> -> memref<1x64xf32, #tpu.memory_space<hbm>>
      tpu.enqueue_dma source(%dma_start3A_611 : memref<1x64xf32, #tpu.memory_space<hbm>>) target(%dma_start3A_609 : memref<1x64xf32, #tpu.memory_space<vmem>>) target_semaphore(%arg7 : memref<!tpu.dma_semaphore, #tpu.memory_space<semaphore_mem>>)
      %eq3A_612 = arith.constant 10 : i32
      %eq3A_613 = vector.broadcast %eq3A_612 : i32 to vector<16xi32>
      %eq3A_614 = arith.cmpi eq, %iota3A, %eq3A_613 : vector<16xi32>
      %jit3A_615 = arith.constant 0 : i32
      %broadcast_in_dim3A_616 = vector.broadcast %jit3A_615 : i32 to vector<16xi32>
      %select_n3A_617 = arith.select %eq3A_614, %get3A_391, %broadcast_in_dim3A_616 : vector<16xi1>, vector<16xi32>
      %reduce_sum3A_618 = arith.constant true
      %reduce_sum3A_619 = vector.broadcast %reduce_sum3A_618 : i1 to vector<16xi1>
      %reduce_sum3A_620 = tpu.scan <sum>, %select_n3A_617 masked %reduce_sum3A_619 : vector<16xi32>, vector<16xi1> -> vector<16xi32>
      %reduce_sum3A_621 = vector.extract %reduce_sum3A_620[15] : i32 from vector<16xi32>
      %mul3A_622 = arith.constant 16 : i32
      %mul3A_623 = arith.muli %scan3A_387, %mul3A_622 : i32
      %add3A_624 = arith.constant 10 : i32
      %add3A_625 = arith.addi %mul3A_623, %add3A_624 : i32
      %dma_start3A_626 = arith.constant 0 : i32
      %dma_start3A_627 = tpu.memref_slice %arg6[%add3A_625, %dma_start3A_626] : memref<512x64xf32, #tpu.memory_space<vmem>> -> memref<1x64xf32, #tpu.memory_space<vmem>>
      %dma_start3A_628 = arith.constant 0 : i32
      %dma_start3A_629 = tpu.memref_slice %arg2[%reduce_sum3A_621, %dma_start3A_628] : memref<100000x64xf32, #tpu.memory_space<hbm>> -> memref<1x64xf32, #tpu.memory_space<hbm>>
      %dma_start3A_630 = arith.constant 0 : i32
      %dma_start3A_631 = tpu.memref_slice %arg6[%add3A_625, %dma_start3A_630] : memref<512x64xf32, #tpu.memory_space<vmem>> -> memref<1x64xf32, #tpu.memory_space<vmem>>
      %dma_start3A_632 = arith.constant 0 : i32
      %dma_start3A_633 = tpu.memref_slice %arg2[%reduce_sum3A_621, %dma_start3A_632] : memref<100000x64xf32, #tpu.memory_space<hbm>> -> memref<1x64xf32, #tpu.memory_space<hbm>>
      tpu.enqueue_dma source(%dma_start3A_633 : memref<1x64xf32, #tpu.memory_space<hbm>>) target(%dma_start3A_631 : memref<1x64xf32, #tpu.memory_space<vmem>>) target_semaphore(%arg7 : memref<!tpu.dma_semaphore, #tpu.memory_space<semaphore_mem>>)
      %eq3A_634 = arith.constant 11 : i32
      %eq3A_635 = vector.broadcast %eq3A_634 : i32 to vector<16xi32>
      %eq3A_636 = arith.cmpi eq, %iota3A, %eq3A_635 : vector<16xi32>
      %jit3A_637 = arith.constant 0 : i32
      %broadcast_in_dim3A_638 = vector.broadcast %jit3A_637 : i32 to vector<16xi32>
      %select_n3A_639 = arith.select %eq3A_636, %get3A_391, %broadcast_in_dim3A_638 : vector<16xi1>, vector<16xi32>
      %reduce_sum3A_640 = arith.constant true
      %reduce_sum3A_641 = vector.broadcast %reduce_sum3A_640 : i1 to vector<16xi1>
      %reduce_sum3A_642 = tpu.scan <sum>, %select_n3A_639 masked %reduce_sum3A_641 : vector<16xi32>, vector<16xi1> -> vector<16xi32>
      %reduce_sum3A_643 = vector.extract %reduce_sum3A_642[15] : i32 from vector<16xi32>
      %mul3A_644 = arith.constant 16 : i32
      %mul3A_645 = arith.muli %scan3A_387, %mul3A_644 : i32
      %add3A_646 = arith.constant 11 : i32
      %add3A_647 = arith.addi %mul3A_645, %add3A_646 : i32
      %dma_start3A_648 = arith.constant 0 : i32
      %dma_start3A_649 = tpu.memref_slice %arg6[%add3A_647, %dma_start3A_648] : memref<512x64xf32, #tpu.memory_space<vmem>> -> memref<1x64xf32, #tpu.memory_space<vmem>>
      %dma_start3A_650 = arith.constant 0 : i32
      %dma_start3A_651 = tpu.memref_slice %arg2[%reduce_sum3A_643, %dma_start3A_650] : memref<100000x64xf32, #tpu.memory_space<hbm>> -> memref<1x64xf32, #tpu.memory_space<hbm>>
      %dma_start3A_652 = arith.constant 0 : i32
      %dma_start3A_653 = tpu.memref_slice %arg6[%add3A_647, %dma_start3A_652] : memref<512x64xf32, #tpu.memory_space<vmem>> -> memref<1x64xf32, #tpu.memory_space<vmem>>
      %dma_start3A_654 = arith.constant 0 : i32
      %dma_start3A_655 = tpu.memref_slice %arg2[%reduce_sum3A_643, %dma_start3A_654] : memref<100000x64xf32, #tpu.memory_space<hbm>> -> memref<1x64xf32, #tpu.memory_space<hbm>>
      tpu.enqueue_dma source(%dma_start3A_655 : memref<1x64xf32, #tpu.memory_space<hbm>>) target(%dma_start3A_653 : memref<1x64xf32, #tpu.memory_space<vmem>>) target_semaphore(%arg7 : memref<!tpu.dma_semaphore, #tpu.memory_space<semaphore_mem>>)
      %eq3A_656 = arith.constant 12 : i32
      %eq3A_657 = vector.broadcast %eq3A_656 : i32 to vector<16xi32>
      %eq3A_658 = arith.cmpi eq, %iota3A, %eq3A_657 : vector<16xi32>
      %jit3A_659 = arith.constant 0 : i32
      %broadcast_in_dim3A_660 = vector.broadcast %jit3A_659 : i32 to vector<16xi32>
      %select_n3A_661 = arith.select %eq3A_658, %get3A_391, %broadcast_in_dim3A_660 : vector<16xi1>, vector<16xi32>
      %reduce_sum3A_662 = arith.constant true
      %reduce_sum3A_663 = vector.broadcast %reduce_sum3A_662 : i1 to vector<16xi1>
      %reduce_sum3A_664 = tpu.scan <sum>, %select_n3A_661 masked %reduce_sum3A_663 : vector<16xi32>, vector<16xi1> -> vector<16xi32>
      %reduce_sum3A_665 = vector.extract %reduce_sum3A_664[15] : i32 from vector<16xi32>
      %mul3A_666 = arith.constant 16 : i32
      %mul3A_667 = arith.muli %scan3A_387, %mul3A_666 : i32
      %add3A_668 = arith.constant 12 : i32
      %add3A_669 = arith.addi %mul3A_667, %add3A_668 : i32
      %dma_start3A_670 = arith.constant 0 : i32
      %dma_start3A_671 = tpu.memref_slice %arg6[%add3A_669, %dma_start3A_670] : memref<512x64xf32, #tpu.memory_space<vmem>> -> memref<1x64xf32, #tpu.memory_space<vmem>>
      %dma_start3A_672 = arith.constant 0 : i32
      %dma_start3A_673 = tpu.memref_slice %arg2[%reduce_sum3A_665, %dma_start3A_672] : memref<100000x64xf32, #tpu.memory_space<hbm>> -> memref<1x64xf32, #tpu.memory_space<hbm>>
      %dma_start3A_674 = arith.constant 0 : i32
      %dma_start3A_675 = tpu.memref_slice %arg6[%add3A_669, %dma_start3A_674] : memref<512x64xf32, #tpu.memory_space<vmem>> -> memref<1x64xf32, #tpu.memory_space<vmem>>
      %dma_start3A_676 = arith.constant 0 : i32
      %dma_start3A_677 = tpu.memref_slice %arg2[%reduce_sum3A_665, %dma_start3A_676] : memref<100000x64xf32, #tpu.memory_space<hbm>> -> memref<1x64xf32, #tpu.memory_space<hbm>>
      tpu.enqueue_dma source(%dma_start3A_677 : memref<1x64xf32, #tpu.memory_space<hbm>>) target(%dma_start3A_675 : memref<1x64xf32, #tpu.memory_space<vmem>>) target_semaphore(%arg7 : memref<!tpu.dma_semaphore, #tpu.memory_space<semaphore_mem>>)
      %eq3A_678 = arith.constant 13 : i32
      %eq3A_679 = vector.broadcast %eq3A_678 : i32 to vector<16xi32>
      %eq3A_680 = arith.cmpi eq, %iota3A, %eq3A_679 : vector<16xi32>
      %jit3A_681 = arith.constant 0 : i32
      %broadcast_in_dim3A_682 = vector.broadcast %jit3A_681 : i32 to vector<16xi32>
      %select_n3A_683 = arith.select %eq3A_680, %get3A_391, %broadcast_in_dim3A_682 : vector<16xi1>, vector<16xi32>
      %reduce_sum3A_684 = arith.constant true
      %reduce_sum3A_685 = vector.broadcast %reduce_sum3A_684 : i1 to vector<16xi1>
      %reduce_sum3A_686 = tpu.scan <sum>, %select_n3A_683 masked %reduce_sum3A_685 : vector<16xi32>, vector<16xi1> -> vector<16xi32>
      %reduce_sum3A_687 = vector.extract %reduce_sum3A_686[15] : i32 from vector<16xi32>
      %mul3A_688 = arith.constant 16 : i32
      %mul3A_689 = arith.muli %scan3A_387, %mul3A_688 : i32
      %add3A_690 = arith.constant 13 : i32
      %add3A_691 = arith.addi %mul3A_689, %add3A_690 : i32
      %dma_start3A_692 = arith.constant 0 : i32
      %dma_start3A_693 = tpu.memref_slice %arg6[%add3A_691, %dma_start3A_692] : memref<512x64xf32, #tpu.memory_space<vmem>> -> memref<1x64xf32, #tpu.memory_space<vmem>>
      %dma_start3A_694 = arith.constant 0 : i32
      %dma_start3A_695 = tpu.memref_slice %arg2[%reduce_sum3A_687, %dma_start3A_694] : memref<100000x64xf32, #tpu.memory_space<hbm>> -> memref<1x64xf32, #tpu.memory_space<hbm>>
      %dma_start3A_696 = arith.constant 0 : i32
      %dma_start3A_697 = tpu.memref_slice %arg6[%add3A_691, %dma_start3A_696] : memref<512x64xf32, #tpu.memory_space<vmem>> -> memref<1x64xf32, #tpu.memory_space<vmem>>
      %dma_start3A_698 = arith.constant 0 : i32
      %dma_start3A_699 = tpu.memref_slice %arg2[%reduce_sum3A_687, %dma_start3A_698] : memref<100000x64xf32, #tpu.memory_space<hbm>> -> memref<1x64xf32, #tpu.memory_space<hbm>>
      tpu.enqueue_dma source(%dma_start3A_699 : memref<1x64xf32, #tpu.memory_space<hbm>>) target(%dma_start3A_697 : memref<1x64xf32, #tpu.memory_space<vmem>>) target_semaphore(%arg7 : memref<!tpu.dma_semaphore, #tpu.memory_space<semaphore_mem>>)
      %eq3A_700 = arith.constant 14 : i32
      %eq3A_701 = vector.broadcast %eq3A_700 : i32 to vector<16xi32>
      %eq3A_702 = arith.cmpi eq, %iota3A, %eq3A_701 : vector<16xi32>
      %jit3A_703 = arith.constant 0 : i32
      %broadcast_in_dim3A_704 = vector.broadcast %jit3A_703 : i32 to vector<16xi32>
      %select_n3A_705 = arith.select %eq3A_702, %get3A_391, %broadcast_in_dim3A_704 : vector<16xi1>, vector<16xi32>
      %reduce_sum3A_706 = arith.constant true
      %reduce_sum3A_707 = vector.broadcast %reduce_sum3A_706 : i1 to vector<16xi1>
      %reduce_sum3A_708 = tpu.scan <sum>, %select_n3A_705 masked %reduce_sum3A_707 : vector<16xi32>, vector<16xi1> -> vector<16xi32>
      %reduce_sum3A_709 = vector.extract %reduce_sum3A_708[15] : i32 from vector<16xi32>
      %mul3A_710 = arith.constant 16 : i32
      %mul3A_711 = arith.muli %scan3A_387, %mul3A_710 : i32
      %add3A_712 = arith.constant 14 : i32
      %add3A_713 = arith.addi %mul3A_711, %add3A_712 : i32
      %dma_start3A_714 = arith.constant 0 : i32
      %dma_start3A_715 = tpu.memref_slice %arg6[%add3A_713, %dma_start3A_714] : memref<512x64xf32, #tpu.memory_space<vmem>> -> memref<1x64xf32, #tpu.memory_space<vmem>>
      %dma_start3A_716 = arith.constant 0 : i32
      %dma_start3A_717 = tpu.memref_slice %arg2[%reduce_sum3A_709, %dma_start3A_716] : memref<100000x64xf32, #tpu.memory_space<hbm>> -> memref<1x64xf32, #tpu.memory_space<hbm>>
      %dma_start3A_718 = arith.constant 0 : i32
      %dma_start3A_719 = tpu.memref_slice %arg6[%add3A_713, %dma_start3A_718] : memref<512x64xf32, #tpu.memory_space<vmem>> -> memref<1x64xf32, #tpu.memory_space<vmem>>
      %dma_start3A_720 = arith.constant 0 : i32
      %dma_start3A_721 = tpu.memref_slice %arg2[%reduce_sum3A_709, %dma_start3A_720] : memref<100000x64xf32, #tpu.memory_space<hbm>> -> memref<1x64xf32, #tpu.memory_space<hbm>>
      tpu.enqueue_dma source(%dma_start3A_721 : memref<1x64xf32, #tpu.memory_space<hbm>>) target(%dma_start3A_719 : memref<1x64xf32, #tpu.memory_space<vmem>>) target_semaphore(%arg7 : memref<!tpu.dma_semaphore, #tpu.memory_space<semaphore_mem>>)
      %eq3A_722 = arith.constant 15 : i32
      %eq3A_723 = vector.broadcast %eq3A_722 : i32 to vector<16xi32>
      %eq3A_724 = arith.cmpi eq, %iota3A, %eq3A_723 : vector<16xi32>
      %jit3A_725 = arith.constant 0 : i32
      %broadcast_in_dim3A_726 = vector.broadcast %jit3A_725 : i32 to vector<16xi32>
      %select_n3A_727 = arith.select %eq3A_724, %get3A_391, %broadcast_in_dim3A_726 : vector<16xi1>, vector<16xi32>
      %reduce_sum3A_728 = arith.constant true
      %reduce_sum3A_729 = vector.broadcast %reduce_sum3A_728 : i1 to vector<16xi1>
      %reduce_sum3A_730 = tpu.scan <sum>, %select_n3A_727 masked %reduce_sum3A_729 : vector<16xi32>, vector<16xi1> -> vector<16xi32>
      %reduce_sum3A_731 = vector.extract %reduce_sum3A_730[15] : i32 from vector<16xi32>
      %mul3A_732 = arith.constant 16 : i32
      %mul3A_733 = arith.muli %scan3A_387, %mul3A_732 : i32
      %add3A_734 = arith.constant 15 : i32
      %add3A_735 = arith.addi %mul3A_733, %add3A_734 : i32
      %dma_start3A_736 = arith.constant 0 : i32
      %dma_start3A_737 = tpu.memref_slice %arg6[%add3A_735, %dma_start3A_736] : memref<512x64xf32, #tpu.memory_space<vmem>> -> memref<1x64xf32, #tpu.memory_space<vmem>>
      %dma_start3A_738 = arith.constant 0 : i32
      %dma_start3A_739 = tpu.memref_slice %arg2[%reduce_sum3A_731, %dma_start3A_738] : memref<100000x64xf32, #tpu.memory_space<hbm>> -> memref<1x64xf32, #tpu.memory_space<hbm>>
      %dma_start3A_740 = arith.constant 0 : i32
      %dma_start3A_741 = tpu.memref_slice %arg6[%add3A_735, %dma_start3A_740] : memref<512x64xf32, #tpu.memory_space<vmem>> -> memref<1x64xf32, #tpu.memory_space<vmem>>
      %dma_start3A_742 = arith.constant 0 : i32
      %dma_start3A_743 = tpu.memref_slice %arg2[%reduce_sum3A_731, %dma_start3A_742] : memref<100000x64xf32, #tpu.memory_space<hbm>> -> memref<1x64xf32, #tpu.memory_space<hbm>>
      tpu.enqueue_dma source(%dma_start3A_743 : memref<1x64xf32, #tpu.memory_space<hbm>>) target(%dma_start3A_741 : memref<1x64xf32, #tpu.memory_space<vmem>>) target_semaphore(%arg7 : memref<!tpu.dma_semaphore, #tpu.memory_space<semaphore_mem>>)
      %ge3A_744 = arith.constant 7 : i32
      %ge3A_745 = arith.cmpi sge, %scan3A_387, %ge3A_744 : i32
      %jit3A_746 = arith.constant 4 : i32
      %eq3A_747 = arith.constant 0 : i32
      %eq3A_748 = arith.cmpi eq, %jit3A_746, %eq3A_747 : i32
      %jit3A_749 = arith.constant 1 : i32
      %select_n3A_750 = arith.select %eq3A_748, %jit3A_749, %jit3A_746 : i32
      %rem3A_751 = arith.remsi %scan3A_387, %select_n3A_750 : i32
      %ne3A_752 = arith.constant 0 : i32
      %ne3A_753 = arith.cmpi ne, %rem3A_751, %ne3A_752 : i32
      %lt3A_754 = arith.constant 0 : i32
      %lt3A_755 = arith.cmpi slt, %rem3A_751, %lt3A_754 : i32
      %lt3A_756 = arith.constant 0 : i32
      %lt3A_757 = arith.cmpi slt, %select_n3A_750, %lt3A_756 : i32
      %ne3A_758 = arith.xori %lt3A_755, %lt3A_757 : i1
      %and3A_759 = arith.andi %ne3A_758, %ne3A_753 : i1
      %add3A_760 = arith.addi %rem3A_751, %select_n3A_750 : i32
      %select_n3A_761 = arith.select %and3A_759, %add3A_760, %rem3A_751 : i32
      %eq3A_762 = arith.constant 3 : i32
      %eq3A_763 = arith.cmpi eq, %select_n3A_761, %eq3A_762 : i32
      %and3A_764 = arith.andi %ge3A_745, %eq3A_763 : i1
      %convert_element_type3A_765 = arith.extui %and3A_764 : i1 to i32
      %cond3A_766 = arith.constant 0 : i32
      %cond3A_767 = arith.cmpi ne, %convert_element_type3A_765, %cond3A_766 : i32
      scf.if %cond3A_767 {
        %dma_wait3A_768 = arith.constant 0 : i32
        %dma_wait3A_769 = arith.constant 0 : i32
        %dma_wait3A_770 = tpu.memref_slice %arg6[%dma_wait3A_768, %dma_wait3A_769] : memref<512x64xf32, #tpu.memory_space<vmem>> -> memref<64x64xf32, #tpu.memory_space<vmem>>
        %dma_wait3A_771 = arith.constant 0 : i32
        %dma_wait3A_772 = arith.constant 0 : i32
        %dma_wait3A_773 = tpu.memref_slice %arg2[%dma_wait3A_771, %dma_wait3A_772] : memref<100000x64xf32, #tpu.memory_space<hbm>> -> memref<64x64xf32, #tpu.memory_space<hbm>>
        %dma_wait3A_774 = arith.constant 0 : i32
        %dma_wait3A_775 = arith.constant 0 : i32
        %dma_wait3A_776 = tpu.memref_slice %arg6[%dma_wait3A_774, %dma_wait3A_775] : memref<512x64xf32, #tpu.memory_space<vmem>> -> memref<64x64xf32, #tpu.memory_space<vmem>>
        %dma_wait3A_777 = arith.constant 0 : i32
        %dma_wait3A_778 = arith.constant 0 : i32
        %dma_wait3A_779 = tpu.memref_slice %arg2[%dma_wait3A_777, %dma_wait3A_778] : memref<100000x64xf32, #tpu.memory_space<hbm>> -> memref<64x64xf32, #tpu.memory_space<hbm>>
        tpu.wait_dma2 semaphore(%arg7 : memref<!tpu.dma_semaphore, #tpu.memory_space<semaphore_mem>>) src(%dma_wait3A_779 : memref<64x64xf32, #tpu.memory_space<hbm>>) dst(%dma_wait3A_776 : memref<64x64xf32, #tpu.memory_space<vmem>>)
      } else {
      }
    }
    %scan3A_7 = arith.constant 32 : i32
    %dma_wait3A = arith.constant 0 : i32
    %dma_wait3A_8 = arith.constant 0 : i32
    %dma_wait3A_9 = tpu.memref_slice %arg6[%dma_wait3A, %dma_wait3A_8] : memref<512x64xf32, #tpu.memory_space<vmem>> -> memref<64x64xf32, #tpu.memory_space<vmem>>
    %dma_wait3A_10 = arith.constant 0 : i32
    %dma_wait3A_11 = arith.constant 0 : i32
    %dma_wait3A_12 = tpu.memref_slice %arg2[%dma_wait3A_10, %dma_wait3A_11] : memref<100000x64xf32, #tpu.memory_space<hbm>> -> memref<64x64xf32, #tpu.memory_space<hbm>>
    %dma_wait3A_13 = arith.constant 0 : i32
    %dma_wait3A_14 = arith.constant 0 : i32
    %dma_wait3A_15 = tpu.memref_slice %arg6[%dma_wait3A_13, %dma_wait3A_14] : memref<512x64xf32, #tpu.memory_space<vmem>> -> memref<64x64xf32, #tpu.memory_space<vmem>>
    %dma_wait3A_16 = arith.constant 0 : i32
    %dma_wait3A_17 = arith.constant 0 : i32
    %dma_wait3A_18 = tpu.memref_slice %arg2[%dma_wait3A_16, %dma_wait3A_17] : memref<100000x64xf32, #tpu.memory_space<hbm>> -> memref<64x64xf32, #tpu.memory_space<hbm>>
    tpu.wait_dma2 semaphore(%arg7 : memref<!tpu.dma_semaphore, #tpu.memory_space<semaphore_mem>>) src(%dma_wait3A_18 : memref<64x64xf32, #tpu.memory_space<hbm>>) dst(%dma_wait3A_15 : memref<64x64xf32, #tpu.memory_space<vmem>>)
    "tpu.region"() ({
      %run_scoped3A = tpu.sem_alloc : memref<!tpu.dma_semaphore, #tpu.memory_space<semaphore_mem>>
      %dma_start3A = arith.constant 0 : i32
      %dma_start3A_19 = tpu.memref_slice %arg4[%mul3A_2, %dma_start3A] : memref<16384x64xf32, #tpu.memory_space<hbm>> -> memref<512x64xf32, #tpu.memory_space<hbm>>
      %dma_start3A_20 = arith.constant 0 : i32
      %dma_start3A_21 = tpu.memref_slice %arg4[%mul3A_2, %dma_start3A_20] : memref<16384x64xf32, #tpu.memory_space<hbm>> -> memref<512x64xf32, #tpu.memory_space<hbm>>
      tpu.enqueue_dma source(%arg6 : memref<512x64xf32, #tpu.memory_space<vmem>>) target(%dma_start3A_21 : memref<512x64xf32, #tpu.memory_space<hbm>>) target_semaphore(%run_scoped3A : memref<!tpu.dma_semaphore, #tpu.memory_space<semaphore_mem>>)
      %dma_wait3A_22 = arith.constant 0 : i32
      %dma_wait3A_23 = tpu.memref_slice %arg4[%mul3A_2, %dma_wait3A_22] : memref<16384x64xf32, #tpu.memory_space<hbm>> -> memref<512x64xf32, #tpu.memory_space<hbm>>
      %dma_wait3A_24 = arith.constant 0 : i32
      %dma_wait3A_25 = tpu.memref_slice %arg4[%mul3A_2, %dma_wait3A_24] : memref<16384x64xf32, #tpu.memory_space<hbm>> -> memref<512x64xf32, #tpu.memory_space<hbm>>
      tpu.wait_dma2 semaphore(%run_scoped3A : memref<!tpu.dma_semaphore, #tpu.memory_space<semaphore_mem>>) src(%arg6 : memref<512x64xf32, #tpu.memory_space<vmem>>) dst(%dma_wait3A_25 : memref<512x64xf32, #tpu.memory_space<hbm>>)
      tpu.yield
    }) : () -> ()
    return
  }
}

</mosaic_0001>

<sc_bundles>
// kernel: kernel.3.cloned.1.call-start
scs
__scs_entry_jumppad:
0x0: {  	(pc) =	sbr.rel $0x88, $3  }
0x1: {  	(tag) =	ssettag $0x0;
	lr =	simm.s32 $0x1  }
0x2: {  	[smem:$0x3F9F] =	sst lr;
	_ =	strace $0xD0000000  }
0x3: {  	_ = 	snop  }
0x4: {  	_ = 	snop  }
0x5: {  	_ = 	snop  }
0x6: {  	_ = 	snop  }
0x7: {  	_ = 	snop  }
__scs_overlays_trampoline_lowered:
0x8: {  	[smem:$0x3FAE] =	sst s0  }
0x9: {  	[smem:$0x3FAF] =	sst s1  }
0xa: {  	[smem:$0x3FB0] =	sst s2  }
0xb: {  	[smem:$0x3FB1] =	sst s3  }
0xc: {  	[smem:$0x3FB2] =	sst s4  }
0xd: {  	[smem:$0x3FB3] =	sst s5  }
0xe: {  	[smem:$0x3FB4] =	sst s6  }
0xf: {  	[smem:$0x3FB5] =	sst s7  }
0x10: {  	[smem:$0x3FB6] =	sst s8  }
0x11: {  	[smem:$0x3FB7] =	sst s9;
	s0 =	simm.s32 @!p0 $0x0  }
0x12: {  	s1 =	sld [smem:$0x3F9D];
	s0 =	simm.s32 @p0 $0x1  }
0x13: {  	[smem:$0x3FB8] =	sst s0;
	s0 =	simm.s32 @!p1 $0x0  }
0x14: {  	s2 =	sld [smem:$0x3F9C];
	s0 =	simm.s32 @p1 $0x1  }
0x15: {  	[smem:$0x3FB9] =	sst s0;
	s0 =	simm.s32 @!p2 $0x0  }
0x16: {  	s3 =	sld [smem:$0x3FDB];
	s0 =	simm.s32 @p2 $0x1  }
0x17: {  	s4 =	simm.s32 $0x1BF5;
	[smem:$0x3FBB] =	sst s0  }
0x18: {  	s0 =	sld [smem:$0x3F9E];
	_ =	swait.ge [sflag:s4], $0x0  }
0x19: {  	s7 =	sld [smem:$0x3F9F]  }
0x1a: {  	s8 =	sadd.s32 $0xFFFFE003, lr  }
0x1b: {  	s9 =	sadd.s32 $0xFFFFFEF7, lr;
	s5 =	simm.s32 $0xFFFFFFFF;
	p2 =	slt.u32 s8, $0xFFFFF086  }
0x1c: {  	p1 =	slt.u32 s9, $0xF7A;
	s5 =	simm.s32 @!p2 $0x0  }
0x1d: {  	s5 =	simm.s32 @p1 $0x1;
	p0 =	seq.s32 s7, s2  }
0x1e: {  	s7 =	smul.u32 @!p0 $0xF7A, s2;
	p2 =	seq.s32 @!p0 s5, $0x0  }
0x1f: {  	s9 =	smul.u32 $0xF7A, s1;
	s8 =	simm.s32 @!p0 $0x1BF5;
	p2 =	por !p2, p0  }
0x20: {  	[sflag:s8] =	ssyncset.s32 @!p0 $0xFFFFF086;
	s6 =	sadd.s32 @!p0 s3, s7;
	s7 =	simm.s32 @!p0 $0x108  }
0x21: {  	s3 =	sadd.s32 s3, s9;
	s6 =	sadd.s32 @!p0 $0x88, s6;
	s7 =	simm.s32 @p2 $0x1082  }
0x22: {  	[simem:s7], [sflag:s8] =	dma.local @!p0 [hbm:s6], $0xF7A  }
0x23: {  	s9 =	sor.u32 $0xD0000000, s2;
	s6 =	simm.s32 $0x108;
	_ =	swait.ge @!p0 [sflag:s8], $0x0  }
0x24: {  	s3 =	sadd.s32 $0x88, s3;
	s6 =	simm.s32 @!p1 $0x1082;
	[sflag:s4] =	ssyncset.s32 $0xFFFFF086  }
0x25: {  	[simem:s6], [sflag:s4] =	dma.local [hbm:s3], $0xF7A  }
0x26: {  	[smem:$0x3F9F] =	sst s1;
	(tag) =	ssettag s2;
	_ =	strace s9  }
0x27: {  	s1 =	sld [smem:$0x3FAF]  }
0x28: {  	s2 =	sld [smem:$0x3FB0]  }
0x29: {  	s4 =	sld [smem:$0x3FB2]  }
0x2a: {  	p0 =	seq.s32 s5, $0x0;
	s5 =	sld [smem:$0x3FB3]  }
0x2b: {  	s6 =	sld [smem:$0x3FB4]  }
0x2c: {  	s7 =	sld [smem:$0x3FB5]  }
0x2d: {  	s3 =	simm.s32 $0x108;
	s8 =	sld [smem:$0x3FB6]  }
0x2e: {  	s3 =	simm.s32 @!p0 $0x1082;
	s9 =	sld [smem:$0x3FB7]  }
0x2f: {  	lr =	sadd.s32 s0, s3;
	s0 =	sld [smem:$0x3FAE]  }
0x30: {  	s3 =	sld [smem:$0x3FB1]  }
0x31: {  	[smem:$0x3FBA] =	sst s10  }
0x32: {  	s10 =	sld [smem:$0x3FB8];
	_ =	sdelay $0x3  }
0x33: {  	p0 =	seq.s32 s10, $0x1;
	s10 =	sld [smem:$0x3FBA];
	_ =	sdelay $0x3  }
0x34: {  	[smem:$0x3FBA] =	sst s10  }
0x35: {  	s10 =	sld [smem:$0x3FB9];
	_ =	sdelay $0x3  }
0x36: {  	p1 =	seq.s32 s10, $0x1;
	s10 =	sld [smem:$0x3FBA];
	_ =	sdelay $0x3  }
0x37: {  	[smem:$0x3FBA] =	sst s10  }
0x38: {  	s10 =	sld [smem:$0x3FBB]  }
0x39: {  	_ = 	snop;
	(pc) =	sbr.ind lr, $3  }
0x3a: {  	_ = 	snop  }
0x3b: {  	_ = 	snop  }
0x3c: {  	p2 =	seq.s32 s10, $0x1;
	s10 =	sld [smem:$0x3FBA]  }
0x3d: {  	_ =	shalt  }
0x3e: {  	_ =	shalt  }
0x3f: {  	_ =	shalt  }
0x40: {  	_ =	shalt  }
0x41: {  	_ =	shalt  }
0x42: {  	_ =	shalt  }
0x43: {  	_ =	shalt  }
0x44: {  	_ =	shalt  }
0x45: {  	_ =	shalt  }
0x46: {  	_ =	shalt  }
0x47: {  	_ =	shalt  }
0x48: {  	_ =	shalt  }
0x49: {  	_ =	shalt  }
0x4a: {  	_ =	shalt  }
0x4b: {  	_ =	shalt  }
0x4c: {  	_ =	shalt  }
0x4d: {  	_ =	shalt  }
0x4e: {  	_ =	shalt  }
0x4f: {  	_ =	shalt  }
0x50: {  	_ =	shalt  }
0x51: {  	_ =	shalt  }
0x52: {  	_ =	shalt  }
0x53: {  	_ =	shalt  }
0x54: {  	_ =	shalt  }
0x55: {  	_ =	shalt  }
0x56: {  	_ =	shalt  }
0x57: {  	_ =	shalt  }
0x58: {  	_ =	shalt  }
0x59: {  	_ =	shalt  }
0x5a: {  	_ =	shalt  }
0x5b: {  	_ =	shalt  }
0x5c: {  	_ =	shalt  }
0x5d: {  	_ =	shalt  }
0x5e: {  	_ =	shalt  }
0x5f: {  	_ =	shalt  }
0x60: {  	_ =	shalt  }
0x61: {  	_ =	shalt  }
0x62: {  	_ =	shalt  }
0x63: {  	_ =	shalt  }
0x64: {  	_ =	shalt  }
0x65: {  	_ =	shalt  }
0x66: {  	_ =	shalt  }
0x67: {  	_ =	shalt  }
0x68: {  	_ =	shalt  }
0x69: {  	_ =	shalt  }
0x6a: {  	_ =	shalt  }
0x6b: {  	_ =	shalt  }
0x6c: {  	_ =	shalt  }
0x6d: {  	_ =	shalt  }
0x6e: {  	_ =	shalt  }
0x6f: {  	_ =	shalt  }
0x70: {  	_ =	shalt  }
0x71: {  	_ =	shalt  }
0x72: {  	_ =	shalt  }
0x73: {  	_ =	shalt  }
0x74: {  	_ =	shalt  }
0x75: {  	_ =	shalt  }
0x76: {  	_ =	shalt  }
0x77: {  	_ =	shalt  }
0x78: {  	_ =	shalt  }
0x79: {  	_ =	shalt  }
0x7a: {  	_ =	shalt  }
0x7b: {  	_ =	shalt  }
0x7c: {  	_ =	shalt  }
0x7d: {  	_ =	shalt  }
0x7e: {  	_ =	shalt  }
0x7f: {  	_ =	shalt  }
0x80: {  	_ =	shalt  }
0x81: {  	_ =	shalt  }
0x82: {  	_ =	shalt  }
0x83: {  	_ =	shalt  }
0x84: {  	_ =	shalt  }
0x85: {  	_ =	shalt  }
0x86: {  	_ =	shalt  }
0x87: {  	_ =	shalt  }
.Lfunc_end0:
.L_simem_size_0:
called_computation_lowered:
.L_overlay_start_0:
0x88: {  	s2 =	sld [smem:$0x3FD9]  }
0x89: {  	s3 =	sld [smem:$0x3FFE];
	_ =	sdelay $0x1  }
0x8a: {  	s1 =	srdreg.scid  }
0x8b: {  	s0 =	sand.u32 $0x1, s1  }
0x8c: {  	s17 =	sshll.u32 s0, $0xA;
	s2 =	sadd.s32 s3, s2  }
0x8d: {  	s2 =	sadd.s32 s2, s17  }
0x8e: {  	[smem:$0x3FC6] =	sst s2  }
0x8f: {  	_ = 	snop  }
0x90: {  	s2 =	sld [smem:$0x3FC9];
	(tm) =	ssettm $0x1  }
0x91: {  	s18 =	sld [smem:$0x3FFB];
	_ =	sdelay $0x3  }
0x92: {  	_ =	strace s18  }
0x93: {  	s3 =	sld [smem:$0x3FFC];
	_ =	sdelay $0x3  }
0x94: {  	_ =	strace s3  }
0x95: {  	s3 =	sld [smem:$0x3FFD];
	_ =	sdelay $0x3  }
0x96: {  	_ =	strace s3  }
0x97: {  	_ =	strace $0x8FFFFFFF  }
0x98: {  	s19 =	sld [smem:$0x3FDB];
	_ =	sdelay $0x1  }
0x99: {  	s4 =	simm.s32 $_scs_section_size  }
0x9a: {  	s5 =	simm.s32 $_size__tile_overlayer_lowered;
	s6 =	simm.s32 $_tile_overlayer_lowered  }
0x9b: {  	s22 =	simm.s32 $0x1BFF;
	s21 =	sshll.u32 s6, $0x1;
	s3 =	sadd.s32 s4, s19  }
0x9c: {  	s7 =	simm.s32 $0x0;
	s20 =	sshll.u32 s5, $0x1;
	s5 =	sadd.s32 s21, s3  }
0x9d: {  	[timem:s7], [sflag:s22] =	dma.local [hbm:s5], s20  }
0x9e: {  	_ =	swait.ge [sflag:s22], s20  }
0x9f: {  	s4 =	ssub.s32 $0x0, s20;
	[sflag:s22] =	ssyncset.done $0x0  }
0xa0: {  	[sflag:s22] =	ssyncadd.s32 s4;
	_ =	sdelay $0x1  }
0xa1: {  	s23 =	simm.s32 $0x1B8B  }
0xa2: {  	_ =	swait.ge [sflag:s23], $0x1  }
0xa3: {  	[sflag:s23] =	ssyncset.done $0x0  }
0xa4: {  	s25 =	simm.s32 $0x1B8E;
	s24 =	sld [smem:$0x3FFE];
	[sflag:s23] =	ssyncadd.s32 $0xFFFFFFFF  }
0xa5: {  	s26 =	simm.s32 $execute0_lowered;
	[smem:$0x3FD2] =	sst s25  }
0xa6: {  	s5 =	sshll.u32 s26, $0x1;
	_ =	strace $0x80000046;
	[dreg:$0x1] =	wrdreg $0xFFFFFFFF  }
0xa7: {  	s28 =	simm.s32 $_size_execute0_lowered;
	s3 =	sadd.s32 s3, s5;
	[dreg:$0x0] =	wrdreg $0x0  }
0xa8: {  	s5 =	sshll.u32 s28, $0x1;
	[dreg:$0x2] =	wrdreg s3  }
0xa9: {  	[dreg:$0x3] =	wrdreg s5  }
0xaa: {  	[dreg:$0x4] =	wrdreg $0xC0  }
0xab: {  	_ =	task [dreg:s7], $0x5FFFF  }
0xac: {  	[dreg:$0x1] =	wrdreg $0xFFFFFFFF  }
0xad: {  	[dreg:$0x0] =	wrdreg $0x60  }
0xae: {  	[dreg:$0x2] =	wrdreg s24  }
0xaf: {  	[dreg:$0x3] =	wrdreg s2  }
0xb0: {  	[dreg:$0x4] =	wrdreg $0x9  }
0xb1: {  	_ =	task.clear_ibuf [dreg:s7], $0x5FFFF;
	_ =	strace $0x90000046  }
0xb2: {  	s29 =	simm.s32 $0x9;
	_ =	strace $0x80000048  }
0xb3: {  	_ =	swait.ge [sflag:s29], $0x1  }
0xb4: {  	[sflag:s29] =	ssyncadd.s32 $0xFFFFFFFF  }
0xb5: {  	_ =	strace $0x90000048  }
0xb6: {  	_ =	sfence  }
0xb7: {  	s30 =	sld [smem:$0x0];
	_ =	sdelay $0x2  }
0xb8: {  	s31 =	sshll.u32 s1, $0xD;
	s1 =	sshrl.u32 s1, $0x2  }
0xb9: {  	s3 =	sand.u32 $0x4000, s31;
	s1 =	sadd.s32 s1, s30  }
0xba: {  	s0 =	sor.u32 s3, s0;
	s1 =	sshll.u32 s1, $0x11  }
0xbb: {  	s0 =	sor.u32 s1, s0  }
0xbc: {  	s0 =	sadd.s32 $0x8F2B, s0  }
0xbd: {  	[sflag:s0] =	ssyncadd.remote.s32 $0x1  }
0xbe: {  	_ =	sfence.sel $0xFFFF  }
0xbf: {  	[dreg:$0x0] =	wrdreg $0xFFFFFFFF;
	(pc) =	sbr.abs _section_cstart, $3  }
0xc0: {  	[dreg:$0x1] =	wrdreg $0xFFFFFFFF  }
0xc1: {  	_ =	task.clear_ibuf [dreg:s7], $0x2FFFF;
	_ =	strace $0x9FFFFFFF  }
0xc2: {  	(tm) =	ssettm $0x7FFFFFFF  }
0xc3: {  	_ =	shalt  }
tec
execute0_lowered:
.L_overlay_start_1:
0x0: {  	(tag) =	ssettag $0x1  }
0x1: {  	s4 =	rddreg [dreg:$0x0]  }
0x2: {  	s5 =	rddreg [dreg:$0x1];
	s2 =	simm.s32 $0x0  }
0x3: {  	s3 =	srdreg.scid;
	s0 =	stileid.u32;
	s10 =	simm.s32 $0x0  }
0x4: {  	vm0 =	vmmov $0x1;
	[smem:$0x7FF] =	sst s2;
	s6 =	sand.u32 $0x1, s3;
	s7 =	sshll.u32 s0, $0xA  }
0x5: {  	vm1 =	vcmask $0x308;
	vm2 =	vcmask $0x70C;
	vm3 =	vcmask $0xB10;
	s3 =	sadd.s32 $0x400, s4;
	s8 =	sshll.u32 s6, $0x9;
	s6 =	ssub.s32 $0x2, s6  }
0x6: {  	vm4 =	vcmask $0xF14;
	vm5 =	vcmask $0x1318;
	vm6 =	vcmask $0x171C;
	_ =	strace $0x80000047;
	s7 =	sor.u32 s8, s7;
	s9 =	sshrl.u32 s6, $0x1  }
0x7: {  	vm7 =	vcmask $0x1B20;
	vm8 =	vcmask $0x1F24;
	vm9 =	vcmask $0x2328;
	s8 =	sshll.u32 s7, $0x4;
	s7 =	sshrl.u32 s7, $0x3;
	s6 =	ssub.s32 s6, s9  }
0x8: {  	vm10 =	vcmask $0x272C;
	vm11 =	vcmask $0x2B30;
	vm12 =	vcmask $0x2F34;
	s8 =	sadd.s32 s8, s4;
	s4 =	sadd.s32 s5, s7;
	s6 =	smax.u32 s6, $0x1  }
0x9: {  	vm13 =	vcmask $0x3338;
	vm14 =	vcmask $0x373C;
	vm15 =	vmmov $0x7fff;
	s7 =	simm.s32 $0x2;
	s5 =	sadd.s32 $0x186E00, s8;
	s8 =	simm.s32 $0x1  }
.LBB2_1:
0xa: {  	[tilespmem:s2], [sflag:$0x2] =	stream.linear.gather [hbm4b:s4+s2], $0x200, $0x38;
	[tilespmem:$0x10200] =	vst v63  }
0xb: {  	_ =	swait.ge [sflag:s7], $0x200  }
0xc: {  	[sflag:s7] =	ssyncset.done $0x0  }
0xd: {  	s11 =	simm.s32 $0x10;
	[sflag:s7] =	ssyncadd.s32 $0xFFFFFE00  }
0xe: {  	v0 =	vld [tilespmem:s11+$0xFFFFFFF0];
	_ =	sdelay $0x4  }
0xf: {  	v1 =	vnsel vm0, $0x0, v0  }
0x10: {  	v2 =	vsel vm1, $0x0, v0;
	(xrf0) =	vadd.scan.msk.s32 $0xffff, v1  }
0x11: {  	v6 =	vsel vm2, $0x0, v0;
	(xrf0) =	vadd.scan.msk.s32 $0xffff, v2  }
0x12: {  	(xrf0) =	vadd.scan.msk.s32 $0xffff, v6;
	_ =	sdelay $0x1  }
0x13: {  	v7 =	vsel vm3, $0x0, v0  }
0x14: {  	(xrf0) =	vadd.scan.msk.s32 $0xffff, v7  }
0x15: {  	v8 =	vsel vm4, $0x0, v0;
	v9, _, _ =	vpop (xrf0)  }
0x16: {  	(xrf0) =	vadd.scan.msk.s32 $0xffff, v8;
	(v2sf) =	vpush v9, $0xF;
	v10, _, _ =	vpop (xrf0)  }
0x17: {  	(v2sf) =	vpush v10, $0xF;
	v12, _, _ =	vpop (xrf0)  }
0x18: {  	v11 =	vsel vm5, $0x0, v0;
	(v2sf) =	vpush v12, $0xF  }
0x19: {  	(xrf0) =	vadd.scan.msk.s32 $0xffff, v11  }
0x1a: {  	v13 =	vsel vm6, $0x0, v0;
	v14, _, _ =	vpop (xrf0)  }
0x1b: {  	v3 =	vsel vm7, $0x0, v0;
	(xrf0) =	vadd.scan.msk.s32 $0xffff, v13;
	(v2sf) =	vpush v14, $0xF  }
0x1c: {  	(xrf0) =	vadd.scan.msk.s32 $0xffff, v3;
	v15, _, _ =	vpop (xrf0)  }
0x1d: {  	(v2sf) =	vpush v15, $0xF;
	_ =	sdelay $0x1  }
0x1e: {  	v17 =	vsel vm8, $0x0, v0;
	v16, _, _ =	vpop (xrf0)  }
0x1f: {  	(xrf0) =	vadd.scan.msk.s32 $0xffff, v17;
	(v2sf) =	vpush v16, $0xF  }
0x20: {  	v18 =	vsel vm9, $0x0, v0;
	v19, _, _ =	vpop (xrf0)  }
0x21: {  	s12 =	simm.s32 $0x880;
	s15 =	simm.s32 $0x700;
	s14 =	simm.s32 $0x780;
	(xrf0) =	vadd.scan.msk.s32 $0xffff, v18;
	v20, _, _ =	vpop (xrf0);
	(v2sf) =	vpush v19, $0xF  }
0x22: {  	s18 =	simm.s32 $0x580;
	s17 =	simm.s32 $0x600;
	s16 =	simm.s32 $0x680;
	v21 =	vsel vm10, $0x0, v0;
	(v2sf) =	vpush v20, $0xF  }
0x23: {  	s21 =	simm.s32 $0x380;
	s20 =	simm.s32 $0x480;
	s19 =	simm.s32 $0x500;
	(xrf0) =	vadd.scan.msk.s32 $0xffff, v21  }
0x24: {  	s22 =	simm.s32 $0x280;
	s23 =	simm.s32 $0x300;
	s24 =	spop (v2sf)  }
0x25: {  	s25 =	simm.s32 $0x200;
	v22 =	vsel vm11, $0x0, v0;
	v23, _, _ =	vpop (xrf0);
	s24 =	sshll.u32 s24, $0x4;
	s26 =	spop (v2sf)  }
0x26: {  	v24 =	vsel vm12, $0x0, v0;
	(xrf0) =	vadd.scan.msk.s32 $0xffff, v22;
	(v2sf) =	vpush v23, $0xF;
	s24 =	sand.u32 $0x1FFFFFF0, s24;
	s26 =	sshll.u32 s26, $0x4;
	s28 =	spop (v2sf)  }
0x27: {  	(xrf0) =	vadd.scan.msk.s32 $0xffff, v24;
	v25, _, _ =	vpop (xrf0);
	s24 =	sadd.s32 s3, s24;
	s26 =	sand.u32 $0x1FFFFFF0, s26;
	s28 =	sshll.u32 s28, $0x4  }
0x28: {  	(v2sf) =	vpush v25, $0xF;
	[tilespmem:s25], [sflag:$0x1] =	stream.linear.gather [hbm4b:s24+s2], $0x80, $0x38;
	[tilespmem:$0x10200] =	vst v63  }
0x29: {  	v27, _, _ =	vpop (xrf0);
	s31 =	spop (v2sf);
	s29 =	sadd.s32 s3, s26;
	s30 =	sand.u32 $0x1FFFFFF0, s28  }
0x2a: {  	v26 =	vsel vm13, $0x0, v0;
	(v2sf) =	vpush v27, $0xF;
	[tilespmem:s22], [sflag:$0x1] =	stream.linear.gather [hbm4b:s29+s2], $0x80, $0x38;
	[tilespmem:$0x10200] =	vst v63  }
0x2b: {  	(xrf0) =	vadd.scan.msk.s32 $0xffff, v26;
	s1 =	sshll.u32 s31, $0x4;
	s0 =	sadd.s32 s3, s30;
	s9 =	spop (v2sf)  }
0x2c: {  	v28 =	vsel vm14, $0x0, v0;
	v29, _, _ =	vpop (xrf0);
	[tilespmem:s23], [sflag:$0x1] =	stream.linear.gather [hbm4b:s0+s2], $0x80, $0x38;
	[tilespmem:$0x10200] =	vst v63  }
0x2d: {  	v0 =	vsel vm15, $0x0, v0;
	(xrf0) =	vadd.scan.msk.s32 $0xffff, v28;
	s30 =	simm.s32 $0x400;
	(v2sf) =	vpush v29, $0xF;
	s24 =	sshll.u32 s9, $0x4;
	s23 =	sand.u32 $0x1FFFFFF0, s1  }
0x2e: {  	(xrf0) =	vadd.scan.msk.s32 $0xffff, v0;
	v30, _, _ =	vpop (xrf0);
	s25 =	spop (v2sf);
	s22 =	sadd.s32 s3, s23;
	s23 =	sand.u32 $0x1FFFFFF0, s24  }
0x2f: {  	(v2sf) =	vpush v30, $0xF;
	[tilespmem:s21], [sflag:$0x1] =	stream.linear.gather [hbm4b:s22+s2], $0x80, $0x38;
	[tilespmem:$0x10200] =	vst v63  }
0x30: {  	s24 =	sshll.u32 s25, $0x4;
	s29 =	spop (v2sf);
	s26 =	sadd.s32 s3, s23  }
0x31: {  	v31, _, _ =	vpop (xrf0);
	s28 =	sand.u32 $0x1FFFFFF0, s24;
	s23 =	sshll.u32 s29, $0x4;
	s31 =	spop (v2sf)  }
0x32: {  	(v2sf) =	vpush v31, $0xF;
	[tilespmem:s30], [sflag:$0x1] =	stream.linear.gather [hbm4b:s26+s2], $0x80, $0x38;
	[tilespmem:$0x10200] =	vst v63  }
0x33: {  	v32, _, _ =	vpop (xrf0);
	s0 =	sadd.s32 s3, s28;
	s1 =	sand.u32 $0x1FFFFFF0, s23;
	s9 =	sshll.u32 s31, $0x4  }
0x34: {  	v33, _, _ =	vpop (xrf0);
	(v2sf) =	vpush v32, $0xF;
	[tilespmem:s20], [sflag:$0x1] =	stream.linear.gather [hbm4b:s0+s2], $0x80, $0x38;
	[tilespmem:$0x10200] =	vst v63  }
0x35: {  	s22 =	sadd.s32 s3, s1;
	s23 =	sand.u32 $0x1FFFFFF0, s9;
	(v2sf) =	vpush v33, $0xF;
	s24 =	spop (v2sf)  }
0x36: {  	[tilespmem:s19], [sflag:$0x1] =	stream.linear.gather [hbm4b:s22+s2], $0x80, $0x38;
	[tilespmem:$0x10200] =	vst v63  }
0x37: {  	s25 =	sadd.s32 s3, s23;
	s26 =	sshll.u32 s24, $0x4;
	s28 =	spop (v2sf)  }
0x38: {  	[tilespmem:s18], [sflag:$0x1] =	stream.linear.gather [hbm4b:s25+s2], $0x80, $0x38;
	[tilespmem:$0x10200] =	vst v63  }
0x39: {  	s29 =	sand.u32 $0x1FFFFFF0, s26;
	s30 =	sshll.u32 s28, $0x4;
	s31 =	spop (v2sf)  }
0x3a: {  	s18 =	sadd.s32 s3, s29;
	s19 =	sand.u32 $0x1FFFFFF0, s30;
	s20 =	sshll.u32 s31, $0x4  }
0x3b: {  	[tilespmem:s17], [sflag:$0x1] =	stream.linear.gather [hbm4b:s18+s2], $0x80, $0x38;
	[tilespmem:$0x10200] =	vst v63  }
0x3c: {  	s0 =	sadd.s32 s3, s19;
	s1 =	sand.u32 $0x1FFFFFF0, s20;
	s9 =	spop (v2sf)  }
0x3d: {  	[tilespmem:s16], [sflag:$0x1] =	stream.linear.gather [hbm4b:s0+s2], $0x80, $0x38;
	[tilespmem:$0x10200] =	vst v63  }
0x3e: {  	s17 =	sadd.s32 s3, s1;
	s18 =	sshll.u32 s9, $0x4;
	s19 =	spop (v2sf)  }
0x3f: {  	[tilespmem:s15], [sflag:$0x1] =	stream.linear.gather [hbm4b:s17+s2], $0x80, $0x38;
	[tilespmem:$0x10200] =	vst v63  }
0x40: {  	s13 =	simm.s32 $0x800;
	s20 =	sand.u32 $0x1FFFFFF0, s18;
	s21 =	sshll.u32 s19, $0x4  }
0x41: {  	s15 =	sadd.s32 s3, s20;
	s22 =	spop (v2sf);
	s16 =	sand.u32 $0x1FFFFFF0, s21  }
0x42: {  	[tilespmem:s14], [sflag:$0x1] =	stream.linear.gather [hbm4b:s15+s2], $0x80, $0x38;
	[tilespmem:$0x10200] =	vst v63  }
0x43: {  	s17 =	sshll.u32 s22, $0x4;
	s23 =	sadd.s32 s3, s16;
	s25 =	spop (v2sf)  }
0x44: {  	s24 =	sand.u32 $0x1FFFFFF0, s17;
	s28 =	sshll.u32 s25, $0x4;
	s29 =	spop (v2sf)  }
0x45: {  	[tilespmem:s13], [sflag:$0x1] =	stream.linear.gather [hbm4b:s23+s2], $0x80, $0x38;
	[tilespmem:$0x10200] =	vst v63  }
0x46: {  	s26 =	sadd.s32 s3, s24;
	s30 =	sand.u32 $0x1FFFFFF0, s28;
	s31 =	sshll.u32 s29, $0x4  }
0x47: {  	[tilespmem:s12], [sflag:$0x1] =	stream.linear.gather [hbm4b:s26+s2], $0x80, $0x38;
	[tilespmem:$0x10200] =	vst v63  }
0x48: {  	s0 =	simm.s32 $0x900;
	s13 =	sand.u32 $0x1FFFFFF0, s31;
	s12 =	sadd.s32 s3, s30  }
0x49: {  	[tilespmem:s0], [sflag:$0x1] =	stream.linear.gather [hbm4b:s12+s2], $0x80, $0x38;
	[tilespmem:$0x10200] =	vst v63  }
0x4a: {  	s1 =	simm.s32 $0x980;
	s13 =	sadd.s32 s3, s13  }
0x4b: {  	[tilespmem:s1], [sflag:$0x1] =	stream.linear.gather [hbm4b:s13+s2], $0x80, $0x38;
	[tilespmem:$0x10200] =	vst v63  }
0x4c: {  	v34 =	vld [tilespmem:s11+$0x0];
	_ =	sdelay $0x4  }
0x4d: {  	v35 =	vnsel vm0, $0x0, v34  }
0x4e: {  	v36 =	vsel vm1, $0x0, v34;
	(xrf0) =	vadd.scan.msk.s32 $0xffff, v35  }
0x4f: {  	v37 =	vsel vm2, $0x0, v34;
	(xrf0) =	vadd.scan.msk.s32 $0xffff, v36  }
0x50: {  	v38 =	vsel vm3, $0x0, v34;
	(xrf0) =	vadd.scan.msk.s32 $0xffff, v37  }
0x51: {  	(xrf0) =	vadd.scan.msk.s32 $0xffff, v38  }
0x52: {  	v39 =	vsel vm4, $0x0, v34  }
0x53: {  	v40 =	vsel vm5, $0x0, v34;
	(xrf0) =	vadd.scan.msk.s32 $0xffff, v39  }
0x54: {  	v41 =	vsel vm6, $0x0, v34;
	(xrf0) =	vadd.scan.msk.s32 $0xffff, v40;
	v43, _, _ =	vpop (xrf0)  }
0x55: {  	v42 =	vsel vm7, $0x0, v34;
	(xrf0) =	vadd.scan.msk.s32 $0xffff, v41;
	(v2sf) =	vpush v43, $0xF;
	v45, _, _ =	vpop (xrf0)  }
0x56: {  	v44 =	vsel vm8, $0x0, v34;
	(xrf0) =	vadd.scan.msk.s32 $0xffff, v42;
	(v2sf) =	vpush v45, $0xF;
	v47, _, _ =	vpop (xrf0)  }
0x57: {  	v46 =	vsel vm9, $0x0, v34;
	(xrf0) =	vadd.scan.msk.s32 $0xffff, v44;
	(v2sf) =	vpush v47, $0xF;
	v49, _, _ =	vpop (xrf0)  }
0x58: {  	v48 =	vsel vm10, $0x0, v34;
	(xrf0) =	vadd.scan.msk.s32 $0xffff, v46;
	(v2sf) =	vpush v49, $0xF  }
0x59: {  	v50 =	vsel vm11, $0x0, v34;
	v51, _, _ =	vpop (xrf0);
	(xrf0) =	vadd.scan.msk.s32 $0xffff, v48  }
0x5a: {  	v52 =	vsel vm12, $0x0, v34;
	v4, _, _ =	vpop (xrf0);
	(xrf0) =	vadd.scan.msk.s32 $0xffff, v50  }
0x5b: {  	(v2sf) =	vpush v4, $0xF;
	v53, _, _ =	vpop (xrf0);
	(xrf0) =	vadd.scan.msk.s32 $0xffff, v52  }
0x5c: {  	v55, _, _ =	vpop (xrf0)  }
0x5d: {  	v54 =	vsel vm13, $0x0, v34;
	(v2sf) =	vpush v51, $0xF;
	v57, _, _ =	vpop (xrf0)  }
0x5e: {  	v56 =	vsel vm14, $0x0, v34;
	(xrf0) =	vadd.scan.msk.s32 $0xffff, v54;
	v58, _, _ =	vpop (xrf0);
	(v2sf) =	vpush v57, $0xF  }
0x5f: {  	s18 =	simm.s32 $0xF80;
	s19 =	simm.s32 $0xE80;
	s20 =	simm.s32 $0xE00;
	v0 =	vsel vm15, $0x0, v34;
	(xrf0) =	vadd.scan.msk.s32 $0xffff, v56;
	v59, _, _ =	vpop (xrf0)  }
0x60: {  	s21 =	simm.s32 $0xD80;
	s15 =	simm.s32 $0xFFFFFFFE;
	s14 =	simm.s32 $0x2180;
	(xrf0) =	vadd.scan.msk.s32 $0xffff, v0;
	(v2sf) =	vpush v53, $0xF;
	v60, _, _ =	vpop (xrf0)  }
0x61: {  	s16 =	simm.s32 $0xF00;
	s22 =	simm.s32 $0xD00;
	s17 =	simm.s32 $0x1000;
	v61, _, _ =	vpop (xrf0)  }
0x62: {  	s25 =	simm.s32 $0xC80;
	s23 =	simm.s32 $0xB80;
	s24 =	simm.s32 $0xC00;
	(v2sf) =	vpush v61, $0xF  }
0x63: {  	s28 =	simm.s32 $0xB00;
	s26 =	simm.s32 $0xA80;
	s30 =	simm.s32 $0xA00  }
0x64: {  	s12 =	simm.s32 $0x0;
	s13 =	simm.s32 $0x30;
	v62, _, _ =	vpop (xrf0);
	(v2sf) =	vpush v55, $0xF;
	s29 =	spop (v2sf)  }
0x65: {  	s11 =	simm.s32 $0x1180;
	v63, _, _ =	vpop (xrf0);
	s29 =	sshll.u32 s29, $0x4;
	s31 =	spop (v2sf)  }
0x66: {  	v5, _, _ =	vpop (xrf0);
	s29 =	sand.u32 $0x1FFFFFF0, s29;
	s31 =	sshll.u32 s31, $0x4;
	s0 =	spop (v2sf)  }
0x67: {  	(v2sf) =	vpush v5, $0xF;
	s29 =	sadd.s32 s3, s29;
	s31 =	sand.u32 $0x1FFFFFF0, s31;
	s1 =	spop (v2sf)  }
0x68: {  	[tilespmem:s30], [sflag:$0x1] =	stream.linear.gather [hbm4b:s29+s2], $0x80, $0x38;
	[tilespmem:$0x10200] =	vst v63  }
0x69: {  	(v2sf) =	vpush v58, $0xF;
	s0 =	sshll.u32 s0, $0x4;
	s29 =	sadd.s32 s3, s31;
	s1 =	sshll.u32 s1, $0x4  }
0x6a: {  	(v2sf) =	vpush v59, $0xF;
	s0 =	sand.u32 $0x1FFFFFF0, s0;
	s30 =	spop (v2sf);
	s1 =	sand.u32 $0x1FFFFFF0, s1  }
0x6b: {  	[tilespmem:s26], [sflag:$0x1] =	stream.linear.gather [hbm4b:s29+s2], $0x80, $0x38;
	[tilespmem:$0x10200] =	vst v63  }
0x6c: {  	(v2sf) =	vpush v60, $0xF;
	s0 =	sadd.s32 s3, s0;
	s9 =	spop (v2sf);
	s26 =	sshll.u32 s30, $0x4  }
0x6d: {  	s1 =	sadd.s32 s3, s1;
	s31 =	sshll.u32 s9, $0x4;
	s30 =	spop (v2sf)  }
0x6e: {  	[tilespmem:s28], [sflag:$0x1] =	stream.linear.gather [hbm4b:s0+s2], $0x80, $0x38;
	[tilespmem:$0x10200] =	vst v63  }
0x6f: {  	(v2sf) =	vpush v62, $0xF;
	s26 =	sand.u32 $0x1FFFFFF0, s26;
	s29 =	sand.u32 $0x1FFFFFF0, s31;
	s9 =	spop (v2sf)  }
0x70: {  	(v2sf) =	vpush v63, $0xF;
	[tilespmem:s23], [sflag:$0x1] =	stream.linear.gather [hbm4b:s1+s2], $0x80, $0x38;
	[tilespmem:$0x10200] =	vst v63  }
0x71: {  	s28 =	sadd.s32 s3, s29;
	s0 =	sshll.u32 s9, $0x4;
	s29 =	spop (v2sf)  }
0x72: {  	[tilespmem:s24], [sflag:$0x1] =	stream.linear.gather [hbm4b:s28+s2], $0x80, $0x38;
	[tilespmem:$0x10200] =	vst v63  }
0x73: {  	s9 =	sadd.s32 s3, s26;
	s0 =	sand.u32 $0x1FFFFFF0, s0;
	s31 =	spop (v2sf)  }
0x74: {  	s0 =	sadd.s32 s3, s0;
	s29 =	sshll.u32 s29, $0x4;
	s1 =	sshll.u32 s31, $0x4  }
0x75: {  	[tilespmem:s25], [sflag:$0x1] =	stream.linear.gather [hbm4b:s9+s2], $0x80, $0x38;
	[tilespmem:$0x10200] =	vst v63  }
0x76: {  	s25 =	sshll.u32 s30, $0x4;
	s24 =	spop (v2sf);
	s1 =	sand.u32 $0x1FFFFFF0, s1  }
0x77: {  	[tilespmem:s22], [sflag:$0x1] =	stream.linear.gather [hbm4b:s0+s2], $0x80, $0x38;
	[tilespmem:$0x10200] =	vst v63  }
0x78: {  	s30 =	sand.u32 $0x1FFFFFF0, s25;
	s26 =	spop (v2sf);
	s28 =	sadd.s32 s3, s1  }
0x79: {  	s1 =	sadd.s32 s3, s30;
	s31 =	spop (v2sf);
	s9 =	sshll.u32 s26, $0x4  }
0x7a: {  	[tilespmem:s21], [sflag:$0x1] =	stream.linear.gather [hbm4b:s28+s2], $0x80, $0x38;
	[tilespmem:$0x10200] =	vst v63  }
0x7b: {  	s22 =	sshll.u32 s31, $0x4;
	s23 =	sand.u32 $0x1FFFFFF0, s9;
	s25 =	spop (v2sf)  }
0x7c: {  	s22 =	sand.u32 $0x1FFFFFF0, s22;
	s26 =	sshll.u32 s25, $0x4;
	s0 =	sadd.s32 s3, s23  }
0x7d: {  	[tilespmem:s20], [sflag:$0x1] =	stream.linear.gather [hbm4b:s1+s2], $0x80, $0x38;
	[tilespmem:$0x10200] =	vst v63  }
0x7e: {  	s28 =	spop (v2sf);
	s31 =	sadd.s32 s3, s22;
	s1 =	sand.u32 $0x1FFFFFF0, s26  }
0x7f: {  	s30 =	spop (v2sf);
	s20 =	sshll.u32 s28, $0x4;
	s22 =	sadd.s32 s3, s1  }
0x80: {  	[tilespmem:s19], [sflag:$0x1] =	stream.linear.gather [hbm4b:s0+s2], $0x80, $0x38;
	[tilespmem:$0x10200] =	vst v63  }
0x81: {  	s0 =	sand.u32 $0x1FFFFFF0, s29;
	s20 =	sand.u32 $0x1FFFFFF0, s20;
	s21 =	sshll.u32 s30, $0x4  }
0x82: {  	[tilespmem:s16], [sflag:$0x1] =	stream.linear.gather [hbm4b:s31+s2], $0x80, $0x38;
	[tilespmem:$0x10200] =	vst v63  }
0x83: {  	s19 =	sshll.u32 s24, $0x4;
	s23 =	sadd.s32 s3, s0;
	s16 =	simm.s32 $0x0  }
.LBB2_2:
0x84: {  	[tilespmem:s18], [sflag:$0x1] =	stream.linear.gather [hbm4b:s22+s2], $0x80, $0x38;
	[tilespmem:$0x10200] =	vst v63  }
0x85: {  	s0 =	sadd.s32 $0xFFFFFF00, s11;
	s1 =	smov.u32 s12;
	s12 =	sadd.s32 $0x2, s12  }
0x86: {  	[tilespmem:s17], [sflag:$0x1] =	stream.linear.gather [hbm4b:s23+s2], $0x80, $0x38;
	[tilespmem:$0x10200] =	vst v63  }
0x87: {  	s15 =	sadd.s32 $0xFFFFFFFF, s15;
	s18 =	sand.u32 $0x1FFFFFF0, s21;
	s17 =	sadd.s32 s3, s20  }
0x88: {  	p1 =	slt.u32 s16, $0x6;
	s15 =	sand.u32 $0x3, s15;
	s20 =	sadd.s32 $0xFFFFFF80, s11  }
0x89: {  	s16 =	sadd.s32 s3, s18;
	s18 =	sand.u32 $0x1FFFFFF0, s19;
	p2 =	sne.s32 @!p1 s15, $0x3  }
0x8a: {  	[tilespmem:s0], [sflag:$0x1] =	stream.linear.gather [hbm4b:s17+s2], $0x80, $0x38;
	[tilespmem:$0x10200] =	vst v63  }
0x8b: {  	p0 =	slt.u32 s12, $0x1E;
	p1 =	por p2, p1;
	s0 =	sadd.s32 s3, s18  }
0x8c: {  	[tilespmem:s20], [sflag:$0x1] =	stream.linear.gather [hbm4b:s16+s2], $0x80, $0x38;
	[tilespmem:$0x10200] =	vst v63  }
0x8d: {  	s15 =	smov.u32 s1;
	s17 =	simm.s32 @!p1 $0x1;
	s16 =	smov.u32 s12  }
0x8e: {  	[tilespmem:s11], [sflag:$0x1] =	stream.linear.gather [hbm4b:s0+s2], $0x80, $0x38;
	[tilespmem:$0x10200] =	vst v63  }
0x8f: {  	s11 =	smov.u32 s14;
	_ =	swait.ge @!p1 [sflag:s17], $0x2000  }
0x90: {  	[sflag:s17] =	ssyncset.done @!p1 $0x0  }
0x91: {  	[sflag:s17] =	ssyncadd.s32 @!p1 $0xFFFFE000  }
0x92: {  	v0 =	vld [tilespmem:s13+$0xFFFFFFF0];
	_ =	sdelay $0x4  }
0x93: {  	v1 =	vnsel vm0, $0x0, v0;
	v2 =	vsel vm1, $0x0, v0;
	v3 =	vsel vm2, $0x0, v0  }
0x94: {  	v4 =	vsel vm3, $0x0, v0;
	v5 =	vsel vm4, $0x0, v0;
	v6 =	vsel vm5, $0x0, v0;
	(xrf0) =	vadd.scan.msk.s32 $0xffff, v1  }
0x95: {  	v7 =	vsel vm7, $0x0, v0;
	v8 =	vsel vm8, $0x0, v0;
	v1 =	vsel vm6, $0x0, v0;
	(xrf0) =	vadd.scan.msk.s32 $0xffff, v2  }
0x96: {  	v9 =	vsel vm10, $0x0, v0;
	v10 =	vsel vm11, $0x0, v0;
	v2 =	vsel vm9, $0x0, v0;
	(xrf0) =	vadd.scan.msk.s32 $0xffff, v3  }
0x97: {  	v11 =	vsel vm13, $0x0, v0;
	v12 =	vsel vm14, $0x0, v0;
	v3 =	vsel vm12, $0x0, v0;
	(xrf0) =	vadd.scan.msk.s32 $0xffff, v4  }
0x98: {  	v0 =	vsel vm15, $0x0, v0;
	(xrf0) =	vadd.scan.msk.s32 $0xffff, v5  }
0x99: {  	(xrf0) =	vadd.scan.msk.s32 $0xffff, v6  }
0x9a: {  	v4, _, _ =	vpop (xrf0);
	(xrf0) =	vadd.scan.msk.s32 $0xffff, v1  }
0x9b: {  	(v2sf) =	vpush v4, $0xF;
	v1, _, _ =	vpop (xrf0);
	(xrf0) =	vadd.scan.msk.s32 $0xffff, v7  }
0x9c: {  	(v2sf) =	vpush v1, $0xF;
	v1, _, _ =	vpop (xrf0);
	(xrf0) =	vadd.scan.msk.s32 $0xffff, v8  }
0x9d: {  	(v2sf) =	vpush v1, $0xF;
	v1, _, _ =	vpop (xrf0);
	(xrf0) =	vadd.scan.msk.s32 $0xffff, v2  }
0x9e: {  	v2, _, _ =	vpop (xrf0);
	(xrf0) =	vadd.scan.msk.s32 $0xffff, v9  }
0x9f: {  	v4, _, _ =	vpop (xrf0);
	(xrf0) =	vadd.scan.msk.s32 $0xffff, v10  }
0xa0: {  	(v2sf) =	vpush v1, $0xF;
	v1, _, _ =	vpop (xrf0);
	(xrf0) =	vadd.scan.msk.s32 $0xffff, v3  }
0xa1: {  	v3, _, _ =	vpop (xrf0);
	(xrf0) =	vadd.scan.msk.s32 $0xffff, v11  }
0xa2: {  	(v2sf) =	vpush v2, $0xF;
	v2, _, _ =	vpop (xrf0);
	(xrf0) =	vadd.scan.msk.s32 $0xffff, v12  }
0xa3: {  	v5, _, _ =	vpop (xrf0);
	(xrf0) =	vadd.scan.msk.s32 $0xffff, v0  }
0xa4: {  	(v2sf) =	vpush v4, $0xF;
	v0, _, _ =	vpop (xrf0)  }
0xa5: {  	v4, _, _ =	vpop (xrf0)  }
0xa6: {  	s17 =	sadd.s32 $0xFFFFF700, s14;
	v6, _, _ =	vpop (xrf0)  }
0xa7: {  	s19 =	sadd.s32 $0xFFFFF600, s14;
	s18 =	sadd.s32 $0xFFFFF680, s14;
	s20 =	sadd.s32 $0xFFFFF580, s14;
	(v2sf) =	vpush v1, $0xF;
	v1, _, _ =	vpop (xrf0)  }
0xa8: {  	s22 =	sadd.s32 $0xFFFFF480, s14;
	s21 =	sadd.s32 $0xFFFFF500, s14;
	s23 =	sadd.s32 $0xFFFFF400, s14;
	(v2sf) =	vpush v3, $0xF;
	v3, _, _ =	vpop (xrf0)  }
0xa9: {  	s25 =	sadd.s32 $0xFFFFF300, s14;
	s24 =	sadd.s32 $0xFFFFF380, s14;
	s0 =	sadd.s32 $0xFFFFF200, s14;
	v7, _, _ =	vpop (xrf0)  }
0xaa: {  	s26 =	sadd.s32 $0xFFFFF180, s14;
	s1 =	sadd.s32 $0xFFFFF100, s14;
	s28 =	spop (v2sf)  }
0xab: {  	s29 =	sadd.s32 $0xFFFFF080, s14;
	s28 =	sshll.u32 s28, $0x4;
	s30 =	spop (v2sf)  }
0xac: {  	s28 =	sand.u32 $0x1FFFFFF0, s28;
	s30 =	sshll.u32 s30, $0x4;
	s31 =	spop (v2sf);
	(v2sf) =	vpush v2, $0xF  }
0xad: {  	s28 =	sadd.s32 s3, s28;
	s30 =	sand.u32 $0x1FFFFFF0, s30;
	s31 =	sshll.u32 s31, $0x4  }
0xae: {  	[tilespmem:s29], [sflag:$0x1] =	stream.linear.gather [hbm4b:s28+s2], $0x80, $0x38;
	(v2sf) =	vpush v5, $0xF;
	[tilespmem:$0x10200] =	vst v63  }
0xaf: {  	s28 =	sadd.s32 s3, s30;
	s29 =	sand.u32 $0x1FFFFFF0, s31;
	s30 =	spop (v2sf)  }
0xb0: {  	[tilespmem:s1], [sflag:$0x1] =	stream.linear.gather [hbm4b:s28+s2], $0x80, $0x38;
	(v2sf) =	vpush v0, $0xF;
	[tilespmem:$0x10200] =	vst v63  }
0xb1: {  	s1 =	sadd.s32 s3, s29;
	s28 =	sshll.u32 s30, $0x4;
	s29 =	spop (v2sf)  }
0xb2: {  	[tilespmem:s26], [sflag:$0x1] =	stream.linear.gather [hbm4b:s1+s2], $0x80, $0x38;
	[tilespmem:$0x10200] =	vst v63  }
0xb3: {  	s1 =	sand.u32 $0x1FFFFFF0, s28;
	s26 =	sshll.u32 s29, $0x4;
	s28 =	spop (v2sf);
	(v2sf) =	vpush v4, $0xF  }
0xb4: {  	s1 =	sadd.s32 s3, s1;
	s26 =	sand.u32 $0x1FFFFFF0, s26;
	s28 =	sshll.u32 s28, $0x4  }
0xb5: {  	[tilespmem:s0], [sflag:$0x1] =	stream.linear.gather [hbm4b:s1+s2], $0x80, $0x38;
	(v2sf) =	vpush v6, $0xF;
	[tilespmem:$0x10200] =	vst v63  }
0xb6: {  	s0 =	sadd.s32 s3, s26;
	s1 =	sand.u32 $0x1FFFFFF0, s28;
	s26 =	spop (v2sf)  }
0xb7: {  	s28 =	sadd.s32 $0xFFFFF280, s14;
	s26 =	sshll.u32 s26, $0x4;
	s29 =	spop (v2sf);
	(v2sf) =	vpush v1, $0xF  }
0xb8: {  	[tilespmem:s28], [sflag:$0x1] =	stream.linear.gather [hbm4b:s0+s2], $0x80, $0x38;
	[tilespmem:$0x10200] =	vst v63  }
0xb9: {  	s0 =	sadd.s32 s3, s1;
	s1 =	sand.u32 $0x1FFFFFF0, s26;
	s26 =	sshll.u32 s29, $0x4  }
0xba: {  	[tilespmem:s25], [sflag:$0x1] =	stream.linear.gather [hbm4b:s0+s2], $0x80, $0x38;
	(v2sf) =	vpush v3, $0xF;
	[tilespmem:$0x10200] =	vst v63  }
0xbb: {  	s0 =	sadd.s32 s3, s1;
	s1 =	sand.u32 $0x1FFFFFF0, s26;
	s25 =	spop (v2sf)  }
0xbc: {  	[tilespmem:s24], [sflag:$0x1] =	stream.linear.gather [hbm4b:s0+s2], $0x80, $0x38;
	(v2sf) =	vpush v7, $0xF;
	[tilespmem:$0x10200] =	vst v63  }
0xbd: {  	s0 =	sadd.s32 s3, s1;
	s1 =	sshll.u32 s25, $0x4;
	s24 =	spop (v2sf)  }
0xbe: {  	[tilespmem:s23], [sflag:$0x1] =	stream.linear.gather [hbm4b:s0+s2], $0x80, $0x38;
	[tilespmem:$0x10200] =	vst v63  }
0xbf: {  	s0 =	sand.u32 $0x1FFFFFF0, s1;
	s1 =	sshll.u32 s24, $0x4;
	s23 =	spop (v2sf)  }
0xc0: {  	s0 =	sadd.s32 s3, s0;
	s1 =	sand.u32 $0x1FFFFFF0, s1;
	s23 =	sshll.u32 s23, $0x4  }
0xc1: {  	[tilespmem:s22], [sflag:$0x1] =	stream.linear.gather [hbm4b:s0+s2], $0x80, $0x38;
	[tilespmem:$0x10200] =	vst v63  }
0xc2: {  	s0 =	sadd.s32 s3, s1;
	s1 =	sand.u32 $0x1FFFFFF0, s23;
	s22 =	spop (v2sf)  }
0xc3: {  	[tilespmem:s21], [sflag:$0x1] =	stream.linear.gather [hbm4b:s0+s2], $0x80, $0x38;
	[tilespmem:$0x10200] =	vst v63  }
0xc4: {  	s0 =	sadd.s32 s3, s1;
	s1 =	sshll.u32 s22, $0x4;
	s21 =	spop (v2sf)  }
0xc5: {  	[tilespmem:s20], [sflag:$0x1] =	stream.linear.gather [hbm4b:s0+s2], $0x80, $0x38;
	[tilespmem:$0x10200] =	vst v63  }
0xc6: {  	s0 =	sand.u32 $0x1FFFFFF0, s1;
	s1 =	sshll.u32 s21, $0x4;
	s20 =	spop (v2sf)  }
0xc7: {  	s0 =	sadd.s32 s3, s0;
	s1 =	sand.u32 $0x1FFFFFF0, s1;
	s20 =	sshll.u32 s20, $0x4  }
0xc8: {  	[tilespmem:s19], [sflag:$0x1] =	stream.linear.gather [hbm4b:s0+s2], $0x80, $0x38;
	[tilespmem:$0x10200] =	vst v63  }
0xc9: {  	s0 =	sadd.s32 s3, s1;
	s1 =	sand.u32 $0x1FFFFFF0, s20;
	s19 =	spop (v2sf)  }
0xca: {  	[tilespmem:s18], [sflag:$0x1] =	stream.linear.gather [hbm4b:s0+s2], $0x80, $0x38;
	[tilespmem:$0x10200] =	vst v63  }
0xcb: {  	s0 =	sadd.s32 s3, s1;
	s1 =	sshll.u32 s19, $0x4;
	s18 =	spop (v2sf)  }
0xcc: {  	[tilespmem:s17], [sflag:$0x1] =	stream.linear.gather [hbm4b:s0+s2], $0x80, $0x38;
	[tilespmem:$0x10200] =	vst v63  }
0xcd: {  	s0 =	sand.u32 $0x1FFFFFF0, s1;
	s1 =	sshll.u32 s18, $0x4  }
0xce: {  	s17 =	sadd.s32 $0xFFFFF780, s14;
	s0 =	sadd.s32 s3, s0;
	s1 =	sand.u32 $0x1FFFFFF0, s1  }
0xcf: {  	[tilespmem:s17], [sflag:$0x1] =	stream.linear.gather [hbm4b:s0+s2], $0x80, $0x38;
	[tilespmem:$0x10200] =	vst v63  }
0xd0: {  	s1 =	sadd.s32 s3, s1;
	s0 =	sadd.s32 $0xFFFFF800, s14  }
0xd1: {  	[tilespmem:s0], [sflag:$0x1] =	stream.linear.gather [hbm4b:s1+s2], $0x80, $0x38;
	[tilespmem:$0x10200] =	vst v63  }
0xd2: {  	v0 =	vld [tilespmem:s13+$0x0];
	_ =	sdelay $0x4  }
0xd3: {  	v1 =	vnsel vm0, $0x0, v0;
	v2 =	vsel vm1, $0x0, v0;
	v3 =	vsel vm2, $0x0, v0  }
0xd4: {  	v4 =	vsel vm3, $0x0, v0;
	v5 =	vsel vm4, $0x0, v0;
	v6 =	vsel vm5, $0x0, v0;
	(xrf0) =	vadd.scan.msk.s32 $0xffff, v1  }
0xd5: {  	v7 =	vsel vm7, $0x0, v0;
	v8 =	vsel vm8, $0x0, v0;
	v1 =	vsel vm6, $0x0, v0;
	(xrf0) =	vadd.scan.msk.s32 $0xffff, v2  }
0xd6: {  	v9 =	vsel vm10, $0x0, v0;
	v10 =	vsel vm11, $0x0, v0;
	v2 =	vsel vm9, $0x0, v0;
	(xrf0) =	vadd.scan.msk.s32 $0xffff, v3  }
0xd7: {  	v11 =	vsel vm13, $0x0, v0;
	v12 =	vsel vm14, $0x0, v0;
	v3 =	vsel vm12, $0x0, v0;
	(xrf0) =	vadd.scan.msk.s32 $0xffff, v4  }
0xd8: {  	v0 =	vsel vm15, $0x0, v0;
	(xrf0) =	vadd.scan.msk.s32 $0xffff, v5  }
0xd9: {  	(xrf0) =	vadd.scan.msk.s32 $0xffff, v6  }
0xda: {  	v4, _, _ =	vpop (xrf0);
	(xrf0) =	vadd.scan.msk.s32 $0xffff, v1  }
0xdb: {  	(v2sf) =	vpush v4, $0xF;
	v1, _, _ =	vpop (xrf0);
	(xrf0) =	vadd.scan.msk.s32 $0xffff, v7  }
0xdc: {  	(v2sf) =	vpush v1, $0xF;
	v1, _, _ =	vpop (xrf0);
	(xrf0) =	vadd.scan.msk.s32 $0xffff, v8  }
0xdd: {  	(v2sf) =	vpush v1, $0xF;
	v1, _, _ =	vpop (xrf0);
	(xrf0) =	vadd.scan.msk.s32 $0xffff, v2  }
0xde: {  	(v2sf) =	vpush v1, $0xF;
	v1, _, _ =	vpop (xrf0);
	(xrf0) =	vadd.scan.msk.s32 $0xffff, v9  }
0xdf: {  	v2, _, _ =	vpop (xrf0);
	(xrf0) =	vadd.scan.msk.s32 $0xffff, v10  }
0xe0: {  	(v2sf) =	vpush v2, $0xF;
	v2, _, _ =	vpop (xrf0);
	(xrf0) =	vadd.scan.msk.s32 $0xffff, v3  }
0xe1: {  	(v2sf) =	vpush v1, $0xF;
	v1, _, _ =	vpop (xrf0);
	(xrf0) =	vadd.scan.msk.s32 $0xffff, v11  }
0xe2: {  	v3, _, _ =	vpop (xrf0);
	(xrf0) =	vadd.scan.msk.s32 $0xffff, v12  }
0xe3: {  	(v2sf) =	vpush v3, $0xF;
	v3, _, _ =	vpop (xrf0);
	(xrf0) =	vadd.scan.msk.s32 $0xffff, v0  }
0xe4: {  	(v2sf) =	vpush v2, $0xF;
	v0, _, _ =	vpop (xrf0)  }
0xe5: {  	v2, _, _ =	vpop (xrf0)  }
0xe6: {  	s17 =	sadd.s32 $0xFFFFFE80, s11;
	s14 =	sadd.s32 $0x1000, s14;
	s13 =	sadd.s32 $0x20, s13;
	v4, _, _ =	vpop (xrf0)  }
0xe7: {  	s20 =	sadd.s32 $0xFFFFFD00, s11;
	s19 =	sadd.s32 $0xFFFFFD80, s11;
	s18 =	sadd.s32 $0xFFFFFE00, s11;
	(v2sf) =	vpush v4, $0xF;
	v4, _, _ =	vpop (xrf0)  }
0xe8: {  	s23 =	sadd.s32 $0xFFFFFB80, s11;
	s22 =	sadd.s32 $0xFFFFFC00, s11;
	s21 =	sadd.s32 $0xFFFFFC80, s11;
	(v2sf) =	vpush v1, $0xF;
	v1, _, _ =	vpop (xrf0)  }
0xe9: {  	s25 =	sadd.s32 $0xFFFFFA80, s11;
	s24 =	sadd.s32 $0xFFFFFB00, s11;
	s0 =	sadd.s32 $0xFFFFFA00, s11;
	v5, _, _ =	vpop (xrf0)  }
0xea: {  	s26 =	sadd.s32 $0xFFFFF980, s11;
	s1 =	sadd.s32 $0xFFFFF900, s11;
	s28 =	spop (v2sf);
	(v2sf) =	vpush v5, $0xF  }
0xeb: {  	s29 =	sadd.s32 $0xFFFFF880, s11;
	s28 =	sshll.u32 s28, $0x4;
	s30 =	spop (v2sf)  }
0xec: {  	s28 =	sand.u32 $0x1FFFFFF0, s28;
	s30 =	sshll.u32 s30, $0x4;
	s31 =	spop (v2sf)  }
0xed: {  	s28 =	sadd.s32 s3, s28;
	s30 =	sand.u32 $0x1FFFFFF0, s30;
	s9 =	spop (v2sf)  }
0xee: {  	[tilespmem:s29], [sflag:$0x1] =	stream.linear.gather [hbm4b:s28+s2], $0x80, $0x38;
	(v2sf) =	vpush v3, $0xF;
	[tilespmem:$0x10200] =	vst v63  }
0xef: {  	s28 =	sadd.s32 s3, s30;
	s29 =	sshll.u32 s31, $0x4;
	s30 =	spop (v2sf)  }
0xf0: {  	s9 =	sshll.u32 s9, $0x4;
	s29 =	sand.u32 $0x1FFFFFF0, s29;
	s31 =	spop (v2sf);
	(v2sf) =	vpush v0, $0xF  }
0xf1: {  	[tilespmem:s1], [sflag:$0x1] =	stream.linear.gather [hbm4b:s28+s2], $0x80, $0x38;
	(v2sf) =	vpush v2, $0xF;
	[tilespmem:$0x10200] =	vst v63  }
0xf2: {  	s1 =	sand.u32 $0x1FFFFFF0, s9;
	s9 =	sshll.u32 s30, $0x4;
	s28 =	spop (v2sf)  }
0xf3: {  	s29 =	sadd.s32 s3, s29;
	s30 =	sshll.u32 s31, $0x4;
	s31 =	spop (v2sf);
	(v2sf) =	vpush v4, $0xF  }
0xf4: {  	s30 =	sand.u32 $0x1FFFFFF0, s30;
	s9 =	sand.u32 $0x1FFFFFF0, s9  }
0xf5: {  	[tilespmem:s26], [sflag:$0x1] =	stream.linear.gather [hbm4b:s29+s2], $0x80, $0x38;
	(v2sf) =	vpush v1, $0xF;
	[tilespmem:$0x10200] =	vst v63  }
0xf6: {  	s26 =	sadd.s32 s3, s30;
	s29 =	sshll.u32 s31, $0x4;
	s30 =	spop (v2sf)  }
0xf7: {  	s1 =	sadd.s32 s3, s1;
	s29 =	sand.u32 $0x1FFFFFF0, s29;
	s31 =	spop (v2sf)  }
0xf8: {  	[tilespmem:s0], [sflag:$0x1] =	stream.linear.gather [hbm4b:s1+s2], $0x80, $0x38;
	[tilespmem:$0x10200] =	vst v63  }
0xf9: {  	s0 =	sadd.s32 s3, s9;
	s1 =	sshll.u32 s31, $0x4;
	s9 =	spop (v2sf)  }
0xfa: {  	[tilespmem:s25], [sflag:$0x1] =	stream.linear.gather [hbm4b:s26+s2], $0x80, $0x38;
	[tilespmem:$0x10200] =	vst v63  }
0xfb: {  	s1 =	sand.u32 $0x1FFFFFF0, s1;
	s25 =	sadd.s32 s3, s29;
	s26 =	sshll.u32 s28, $0x4  }
0xfc: {  	[tilespmem:s24], [sflag:$0x1] =	stream.linear.gather [hbm4b:s0+s2], $0x80, $0x38;
	[tilespmem:$0x10200] =	vst v63  }
0xfd: {  	s0 =	sadd.s32 s3, s1;
	s1 =	sand.u32 $0x1FFFFFF0, s26;
	s24 =	spop (v2sf)  }
0xfe: {  	[tilespmem:s23], [sflag:$0x1] =	stream.linear.gather [hbm4b:s25+s2], $0x80, $0x38;
	[tilespmem:$0x10200] =	vst v63  }
0xff: {  	s1 =	sadd.s32 s3, s1;
	s23 =	sshll.u32 s24, $0x4;
	s24 =	spop (v2sf)  }
0x100: {  	s23 =	sand.u32 $0x1FFFFFF0, s23;
	s24 =	sshll.u32 s24, $0x4;
	s25 =	spop (v2sf)  }
0x101: {  	[tilespmem:s22], [sflag:$0x1] =	stream.linear.gather [hbm4b:s0+s2], $0x80, $0x38;
	[tilespmem:$0x10200] =	vst v63  }
0x102: {  	s0 =	sand.u32 $0x1FFFFFF0, s24;
	s22 =	sshll.u32 s25, $0x4;
	s24 =	spop (v2sf)  }
0x103: {  	[tilespmem:s21], [sflag:$0x1] =	stream.linear.gather [hbm4b:s1+s2], $0x80, $0x38;
	[tilespmem:$0x10200] =	vst v63  }
0x104: {  	s1 =	sadd.s32 s3, s23;
	s21 =	sshll.u32 s30, $0x4;
	s25 =	spop (v2sf)  }
0x105: {  	[tilespmem:s20], [sflag:$0x1] =	stream.linear.gather [hbm4b:s1+s2], $0x80, $0x38;
	[tilespmem:$0x10200] =	vst v63  }
.Ltmp0:
0x106: {  	_ = 	snop;
	(pc) =	sbr.rel @p0 .LBB2_2-.Ltmp0, $4  }
0x107: {  	s0 =	sadd.s32 s3, s0;
	s1 =	sand.u32 $0x1FFFFFF0, s22;
	s20 =	sshll.u32 s24, $0x4  }
0x108: {  	s22 =	sadd.s32 s3, s1;
	s1 =	sand.u32 $0x1FFFFFF0, s21;
	s20 =	sand.u32 $0x1FFFFFF0, s20  }
0x109: {  	[tilespmem:s19], [sflag:$0x1] =	stream.linear.gather [hbm4b:s0+s2], $0x80, $0x38;
	[tilespmem:$0x10200] =	vst v63  }
0x10a: {  	s21 =	sshll.u32 s25, $0x4;
	s23 =	sadd.s32 s3, s1;
	s19 =	sshll.u32 s9, $0x4  }
0x10b: {  	[tilespmem:s18], [sflag:$0x1] =	stream.linear.gather [hbm4b:s22+s2], $0x80, $0x38;
	[tilespmem:$0x10200] =	vst v63  }
0x10c: {  	s0 =	sadd.s32 $0xFFFFFF00, s11;
	s1 =	sadd.s32 $0xFFFFFFFF, s15  }
0x10d: {  	s9 =	sadd.s32 s3, s20;
	p0 =	slt.u32 s16, $0x6;
	s1 =	sand.u32 $0x3, s1  }
0x10e: {  	[tilespmem:s17], [sflag:$0x1] =	stream.linear.gather [hbm4b:s23+s2], $0x80, $0x38;
	[tilespmem:$0x10200] =	vst v63  }
0x10f: {  	s12 =	sand.u32 $0x1FFFFFF0, s21;
	s13 =	sadd.s32 $0xFFFFFF80, s11;
	p1 =	sne.s32 @!p0 s1, $0x3  }
0x110: {  	[tilespmem:s0], [sflag:$0x1] =	stream.linear.gather [hbm4b:s9+s2], $0x80, $0x38;
	[tilespmem:$0x10200] =	vst v63  }
0x111: {  	s29 =	sand.u32 $0x1FFFFFF0, s19;
	s28 =	sadd.s32 s3, s12;
	p0 =	por p1, p0  }
0x112: {  	[tilespmem:s13], [sflag:$0x1] =	stream.linear.gather [hbm4b:s28+s2], $0x80, $0x38;
	[tilespmem:$0x10200] =	vst v63  }
0x113: {  	s30 =	sadd.s32 s3, s29;
	s1 =	simm.s32 @!p0 $0x1  }
0x114: {  	[tilespmem:s11], [sflag:$0x1] =	stream.linear.gather [hbm4b:s30+s2], $0x80, $0x38;
	[tilespmem:$0x10200] =	vst v63  }
0x115: {  	_ =	swait.ge @!p0 [sflag:s1], $0x2000  }
0x116: {  	[sflag:s1] =	ssyncset.done @!p0 $0x0  }
0x117: {  	[sflag:s1] =	ssyncadd.s32 @!p0 $0xFFFFE000  }
0x118: {  	s10 =	sadd.s32 $0x1, s10;
	_ =	swait.ge [sflag:s8], $0x2000  }
0x119: {  	p0 =	sne.s32 s10, s6;
	[sflag:s8] =	ssyncset.done $0x0  }
.Ltmp1:
0x11a: {  	s31 =	simm.s32 $0x200;
	[sflag:s8] =	ssyncadd.s32 $0xFFFFE000;
	(pc) =	sbr.rel @p0 .LBB2_1-.Ltmp1, $4  }
0x11b: {  	[hbm4b:s5+s2] =	stream.linear.scatter [tilespmem:s31], [sflag:$0x2], $0x10000, $0x38;
	[tilespmem:$0x10200] =	vst v63  }
0x11c: {  	_ =	swait.ge [sflag:s7], $0x10000  }
0x11d: {  	[sflag:s7] =	ssyncset.done $0x0  }
0x11e: {  	[sflag:s7] =	ssyncadd.s32 $0xFFFF0000  }
0x11f: {  	_ =	sfence.sel $0x180000  }
0x120: {  	[bflag:$0x0] =	sbarrier.arrive $0xFFFF  }
0x121: {  	_ =	strace $0x90000047  }
0x122: {  	s0 =	stileid.u32;
	[bflag:$0x2] =	sbarrier.arrive $0xFFFF  }
0x123: {  	p0 =	sne.s32 s0, $0x0;
	s0 =	rddreg [dreg:$0x2]  }
0x124: {  	s0 =	sadd.s32 @!p0 $0x100000, s0  }
0x125: {  	[sflag:s0] =	ssyncadd.tile.s32 @!p0 $0x1;
	_ =	shalt  }
.Lfunc_end2:
_tile_overlayer_lowered:
.L_overlay_start_2:
0x126: {  	(tag) =	ssettag $0x2  }
0x127: {  	s0 =	rddreg [dreg:$0x0];
	s2 =	stileid.u32  }
0x128: {  	s1 =	rddreg [dreg:$0x1];
	p0 =	sne.s32 s2, $0x0  }
0x129: {  	s3 =	rddreg [dreg:$0x2];
	[bflag:$0x3] =	sbarrier.arrive $0xFFFF;
	s2 =	simm.s32 @!p0 $0x1C02  }
0x12a: {  	[timem:s3], [sflag:s2] =	dma.local @!p0 [hbm:s0], s1  }
0x12b: {  	s0 =	simm.s32 @!p0 $0x2  }
0x12c: {  	_ =	swait.ge @!p0 [sflag:s0], s1  }
0x12d: {  	s1 =	ssub.s32 @!p0 $0x0, s1;
	[sflag:s0] =	ssyncset.done @!p0 $0x0  }
0x12e: {  	[sflag:s0] =	ssyncadd.s32 @!p0 s1  }
0x12f: {  	[bflag:$0x3] =	sbarrier.arrive $0xFFFF  }
0x130: {  	_ =	shalt  }

</sc_bundles>
